<compile_context>
chip_gen: v7x
topology: tpu7x:2x2x1
jax: 0.10.2.dev20260603
libtpu: 0.0.44.dev20260713+nightly
codegen_flags: <defaults>
</compile_context>

<pallas_src>
import functools

import jax
import jax.numpy as jnp
from jax import lax
from jax.experimental import pallas as pl
from jax.experimental.pallas import tpu as pltpu
from jax.experimental.pallas import tpu_sc as plsc

B = 32
N = 4096
K = 32
BN = B * N
NW = 32
CH = 256
NCHUNK = N // CH
NP = NCHUNK // 2
NB = CH // 16
OW = 30

_mesh = plsc.VectorSubcoreMesh(core_axis_name="c", subcore_axis_name="s")


def _rsqrt(v):
    vh = v * 0.5
    i = lax.bitcast_convert_type(v, jnp.int32)
    i = jnp.int32(0x5F3759DF) - lax.shift_right_logical(i, 1)
    y = lax.bitcast_convert_type(i, jnp.float32)
    for _ in range(2):
        y = y * (1.5 - vh * y * y)
    return y


@functools.partial(
    pl.kernel,
    out_type=jax.ShapeDtypeStruct((OW, BN), jnp.float32),
    mesh=_mesh,
    scratch_types=[
        pltpu.VMEM((3, K, CH), jnp.float32),
        pltpu.VMEM((3, K, CH), jnp.float32),
        pltpu.VMEM((OW, CH), jnp.float32),
        pltpu.VMEM((OW, CH), jnp.float32),
        pltpu.VMEM((512,), jnp.float32),
        pltpu.SemaphoreType.DMA,
        pltpu.SemaphoreType.DMA,
        pltpu.SemaphoreType.DMA,
        pltpu.SemaphoreType.DMA,
        pltpu.SemaphoreType.DMA,
    ],
    compiler_params=pltpu.CompilerParams(needs_layout_passes=False),
)
def _pointhop_sc(gx, nc, out, in0, in1, ob0, ob1, acc,
                 sin0, sin1, scen, sob0, sob1):
    wid = lax.axis_index("s") * 2 + lax.axis_index("c")
    lane = jnp.arange(16, dtype=jnp.int32)
    zeros16 = jnp.zeros((16,), jnp.float32)
    ones16 = jnp.ones((16,), jnp.float32)
    lane256 = lane + 256
    acc_y = acc.at[pl.ds(16, 496)]
    acc_z = acc.at[pl.ds(32, 480)]
    acc_n = acc.at[pl.ds(48, 464)]

    def in_copy(c, ibuf, sem):
        return pltpu.make_async_copy(
            gx.at[wid, :, :, pl.ds(c * CH, CH)], ibuf, sem)

    def batch_body_for(ibuf, obuf):
        def batch_body(b, carry):
            g0 = b * 16
            z3 = (zeros16,) * 3

            @plsc.parallel_loop(0, K, 1, unroll=16, carry=z3)
            def sums_sq(t, csum):
                sxx, syy, szz = csum
                xs = ibuf[0, t, pl.ds(g0, 16)]
                ys = ibuf[1, t, pl.ds(g0, 16)]
                zs = ibuf[2, t, pl.ds(g0, 16)]
                soff = (jnp.where(xs > 0, lane256, lane)
                        + jnp.where(ys > 0, 128, 0)
                        + jnp.where(zs > 0, 64, 0))
                plsc.addupdate_scatter(acc, [soff], xs)
                plsc.addupdate_scatter(acc_y, [soff], ys)
                plsc.addupdate_scatter(acc_z, [soff], zs)
                plsc.addupdate_scatter(acc_n, [soff], ones16)
                return (sxx + xs * xs, syy + ys * ys, szz + zs * zs)

            sxx, syy, szz = sums_sq

            @plsc.parallel_loop(0, 8, 1, unroll=8, carry=z3)
            def totals(o, tot):
                tx, ty, tz = tot
                o64 = o * 64
                cnt = acc[pl.ds(o64 + 48, 16)]
                inv = 1.0 / jnp.maximum(cnt, 1.0)
                bx = acc[pl.ds(o64, 16)]
                by = acc[pl.ds(o64 + 16, 16)]
                bz = acc[pl.ds(o64 + 32, 16)]
                acc[pl.ds(o64, 16)] = zeros16
                acc[pl.ds(o64 + 16, 16)] = zeros16
                acc[pl.ds(o64 + 32, 16)] = zeros16
                acc[pl.ds(o64 + 48, 16)] = zeros16
                o3 = 6 + o * 3
                obuf[o3, pl.ds(g0, 16)] = bx * inv
                obuf[o3 + 1, pl.ds(g0, 16)] = by * inv
                obuf[o3 + 2, pl.ds(g0, 16)] = bz * inv
                return (tx + bx, ty + by, tz + bz)

            for c, s, sq in zip(range(3), totals, (sxx, syy, szz)):
                var = sq * (1.0 / (K - 1)) - (s * s) * (1.0 / (K * (K - 1)))
                var = jnp.maximum(var, 0.0)
                obuf[c, pl.ds(g0, 16)] = var * _rsqrt(var)
            return carry
        return batch_body

    body0 = batch_body_for(in0, ob0)
    body1 = batch_body_for(in1, ob1)

    def out_copy(c, obuf, sem):
        return pltpu.make_async_copy(
            obuf, out.at[:, pl.ds(wid * N + c * CH, CH)], sem)

    def do_chunk(c, ibuf, sem, obuf, osem, body, prefetch, first):
        @pl.when(jnp.logical_not(first))
        def _():
            out_copy(c, obuf, osem).wait()
        cen = pltpu.async_copy(nc.at[:, wid, pl.ds(c * CH, CH)],
                               obuf.at[pl.ds(3, 3), :], scen)
        if prefetch is not None:
            prefetch()
        in_copy(c, ibuf, sem).wait()
        lax.fori_loop(0, NB, body, 0, unroll=False)
        cen.wait()
        out_copy(c, obuf, osem).start()

    def pair_body(p, carry):
        c0 = p * 2
        first = p == 0
        do_chunk(c0, in0, sin0, ob0, sob0, body0,
                 lambda: in_copy(c0 + 1, in1, sin1).start(), first)
        @pl.when(p + 1 < NP)
        def _():
            in_copy(c0 + 2, in0, sin0).start()
        do_chunk(c0 + 1, in1, sin1, ob1, sob1, body1, None, first)
        return carry

    for i in range(32):
        acc[pl.ds(i * 16, 16)] = zeros16
    in_copy(0, in0, sin0).start()
    lax.fori_loop(0, NP, pair_body, 0, unroll=False)
    out_copy(NCHUNK - 2, ob0, sob0).wait()
    out_copy(NCHUNK - 1, ob1, sob1).wait()


def kernel(group_xyz, new_xyz):
    gxt = jnp.transpose(group_xyz, (0, 3, 2, 1))
    nct = jnp.transpose(new_xyz, (2, 0, 1))
    out = _pointhop_sc(gxt, nct)
    return out.T

# --- scband reference (transcript-rebuilt; emitter-appended) ---
"""Pipeline reference for scband-point-hop-57432302682838 (READ-ONLY COPY).

The authoritative reference and input builder live on the scoring server;
editing this copy changes nothing except your own understanding.
"""

import jax, jax.numpy as jnp
import numpy as np


def setup_inputs(seed: int = 0) -> dict:
    key = jax.random.key(seed)
    k1, k2 = jax.random.split(key)
    group_xyz = jax.random.normal(k1, (32, 4096, 32, 3), dtype=jnp.float32)
    new_xyz = jax.random.normal(k2, (32, 4096, 3), dtype=jnp.float32)
    return {"group_xyz": group_xyz, "new_xyz": new_xyz}


def reference(group_xyz, new_xyz):
    B, N, K, C = group_xyz.shape
    X = group_xyz.reshape(B * N, K, C)
    # torch.std is unbiased (ddof=1) by default
    std_xyz = jnp.std(group_xyz, axis=2, ddof=1).reshape(B * N, 3)
    center = new_xyz.reshape(B * N, 3)
    # octant index per neighbor point: 0..7
    idx = ((X[:, :, 0] > 0).astype(jnp.int32) * 4
           + (X[:, :, 1] > 0).astype(jnp.int32) * 2
           + (X[:, :, 2] > 0).astype(jnp.int32))  # (B*N, K)
    # scatter_mean over dim=1 into 8 octant bins, out initialized to zeros
    onehot = jax.nn.one_hot(idx, 8, dtype=X.dtype)  # (B*N, K, 8)
    sums = jnp.einsum('bkc,bko->boc', X, onehot)    # (B*N, 8, 3)
    counts = jnp.sum(onehot, axis=1)                # (B*N, 8)
    counts = jnp.clip(counts, 1.0, None)            # empty bins stay 0 after divide
    current_features = (sums / counts[:, :, None]).reshape(B * N, 24)
    features = jnp.concatenate([std_xyz, center, current_features], axis=-1)
    return features

if __name__ == "__main__":
    import jax
    _d = setup_inputs()
    print(jax.jit(kernel)(*tuple(_d.values())))

</pallas_src>

<mosaic_0001>
#map = affine_map<(d0, d1) -> (0, 0, 0, 0)>
#map1 = affine_map<(d0, d1) -> (0, 0, 0)>
#map2 = affine_map<(d0, d1) -> (0, 0)>
module attributes {stable_mosaic.version = 14 : i64} {
  func.func @_pointhop_sc(%arg0: i32, %arg1: i32, %arg2: memref<32x3x32x4096xf32, #tpu.memory_space<hbm>>, %arg3: memref<3x32x4096xf32, #tpu.memory_space<hbm>>, %arg4: memref<30x131072xf32, #tpu.memory_space<hbm>>, %arg5: memref<3x32x256xf32, #tpu.memory_space<vmem>>, %arg6: memref<3x32x256xf32, #tpu.memory_space<vmem>>, %arg7: memref<30x256xf32, #tpu.memory_space<vmem>>, %arg8: memref<30x256xf32, #tpu.memory_space<vmem>>, %arg9: memref<512xf32, #tpu.memory_space<vmem>>, %arg10: memref<!tpu.dma_semaphore, #tpu.memory_space<semaphore_mem>>, %arg11: memref<!tpu.dma_semaphore, #tpu.memory_space<semaphore_mem>>, %arg12: memref<!tpu.dma_semaphore, #tpu.memory_space<semaphore_mem>>, %arg13: memref<!tpu.dma_semaphore, #tpu.memory_space<semaphore_mem>>, %arg14: memref<!tpu.dma_semaphore, #tpu.memory_space<semaphore_mem>>) attributes {dimension_semantics = [#tpu.dimension_semantics<core_parallel>, #tpu.dimension_semantics<subcore_parallel>], iteration_bounds = array<i64: 2, 16>, scalar_prefetch = 0 : i64, scratch_operands = 10 : i64, tpu.core_type = #tpu.core_type<sc_vector_subcore>, window_params = [{transform_indices = #map}, {transform_indices = #map1}, {transform_indices = #map2}]} {
    %mul3A = arith.constant 2 : i32
    %mul3A_0 = arith.muli %arg1, %mul3A : i32
    %add3A = arith.addi %mul3A_0, %arg0 : i32
    %iota3A = tpu.iota {dimensions = array<i32: 0>} : vector<16xi32>
    %broadcast_in_dim3A = arith.constant 0.000000e+00 : f32
    %broadcast_in_dim3A_1 = vector.broadcast %broadcast_in_dim3A : f32 to vector<16xf32>
    %broadcast_in_dim3A_2 = arith.constant 1.000000e+00 : f32
    %broadcast_in_dim3A_3 = vector.broadcast %broadcast_in_dim3A_2 : f32 to vector<16xf32>
    %add3A_4 = arith.constant 256 : i32
    %add3A_5 = vector.broadcast %add3A_4 : i32 to vector<16xi32>
    %add3A_6 = arith.addi %iota3A, %add3A_5 : vector<16xi32>
    %swap3A = arith.constant 0 : index
    %swap3A_7 = tpu.vector_load %arg9[%swap3A] {strides = array<i32>} : memref<512xf32, #tpu.memory_space<vmem>>, vector<16xf32>,
    tpu.vector_store %arg9[%swap3A], %broadcast_in_dim3A_1 {strides = array<i32>} : memref<512xf32, #tpu.memory_space<vmem>>, vector<16xf32>,
    %swap3A_8 = arith.constant 16 : index
    %swap3A_9 = tpu.vector_load %arg9[%swap3A_8] {strides = array<i32>} : memref<512xf32, #tpu.memory_space<vmem>>, vector<16xf32>,
    tpu.vector_store %arg9[%swap3A_8], %broadcast_in_dim3A_1 {strides = array<i32>} : memref<512xf32, #tpu.memory_space<vmem>>, vector<16xf32>,
    %swap3A_10 = arith.constant 32 : index
    %swap3A_11 = tpu.vector_load %arg9[%swap3A_10] {strides = array<i32>} : memref<512xf32, #tpu.memory_space<vmem>>, vector<16xf32>,
    tpu.vector_store %arg9[%swap3A_10], %broadcast_in_dim3A_1 {strides = array<i32>} : memref<512xf32, #tpu.memory_space<vmem>>, vector<16xf32>,
    %swap3A_12 = arith.constant 48 : index
    %swap3A_13 = tpu.vector_load %arg9[%swap3A_12] {strides = array<i32>} : memref<512xf32, #tpu.memory_space<vmem>>, vector<16xf32>,
    tpu.vector_store %arg9[%swap3A_12], %broadcast_in_dim3A_1 {strides = array<i32>} : memref<512xf32, #tpu.memory_space<vmem>>, vector<16xf32>,
    %swap3A_14 = arith.constant 64 : index
    %swap3A_15 = tpu.vector_load %arg9[%swap3A_14] {strides = array<i32>} : memref<512xf32, #tpu.memory_space<vmem>>, vector<16xf32>,
    tpu.vector_store %arg9[%swap3A_14], %broadcast_in_dim3A_1 {strides = array<i32>} : memref<512xf32, #tpu.memory_space<vmem>>, vector<16xf32>,
    %swap3A_16 = arith.constant 80 : index
    %swap3A_17 = tpu.vector_load %arg9[%swap3A_16] {strides = array<i32>} : memref<512xf32, #tpu.memory_space<vmem>>, vector<16xf32>,
    tpu.vector_store %arg9[%swap3A_16], %broadcast_in_dim3A_1 {strides = array<i32>} : memref<512xf32, #tpu.memory_space<vmem>>, vector<16xf32>,
    %swap3A_18 = arith.constant 96 : index
    %swap3A_19 = tpu.vector_load %arg9[%swap3A_18] {strides = array<i32>} : memref<512xf32, #tpu.memory_space<vmem>>, vector<16xf32>,
    tpu.vector_store %arg9[%swap3A_18], %broadcast_in_dim3A_1 {strides = array<i32>} : memref<512xf32, #tpu.memory_space<vmem>>, vector<16xf32>,
    %swap3A_20 = arith.constant 112 : index
    %swap3A_21 = tpu.vector_load %arg9[%swap3A_20] {strides = array<i32>} : memref<512xf32, #tpu.memory_space<vmem>>, vector<16xf32>,
    tpu.vector_store %arg9[%swap3A_20], %broadcast_in_dim3A_1 {strides = array<i32>} : memref<512xf32, #tpu.memory_space<vmem>>, vector<16xf32>,
    %swap3A_22 = arith.constant 128 : index
    %swap3A_23 = tpu.vector_load %arg9[%swap3A_22] {strides = array<i32>} : memref<512xf32, #tpu.memory_space<vmem>>, vector<16xf32>,
    tpu.vector_store %arg9[%swap3A_22], %broadcast_in_dim3A_1 {strides = array<i32>} : memref<512xf32, #tpu.memory_space<vmem>>, vector<16xf32>,
    %swap3A_24 = arith.constant 144 : index
    %swap3A_25 = tpu.vector_load %arg9[%swap3A_24] {strides = array<i32>} : memref<512xf32, #tpu.memory_space<vmem>>, vector<16xf32>,
    tpu.vector_store %arg9[%swap3A_24], %broadcast_in_dim3A_1 {strides = array<i32>} : memref<512xf32, #tpu.memory_space<vmem>>, vector<16xf32>,
    %swap3A_26 = arith.constant 160 : index
    %swap3A_27 = tpu.vector_load %arg9[%swap3A_26] {strides = array<i32>} : memref<512xf32, #tpu.memory_space<vmem>>, vector<16xf32>,
    tpu.vector_store %arg9[%swap3A_26], %broadcast_in_dim3A_1 {strides = array<i32>} : memref<512xf32, #tpu.memory_space<vmem>>, vector<16xf32>,
    %swap3A_28 = arith.constant 176 : index
    %swap3A_29 = tpu.vector_load %arg9[%swap3A_28] {strides = array<i32>} : memref<512xf32, #tpu.memory_space<vmem>>, vector<16xf32>,
    tpu.vector_store %arg9[%swap3A_28], %broadcast_in_dim3A_1 {strides = array<i32>} : memref<512xf32, #tpu.memory_space<vmem>>, vector<16xf32>,
    %swap3A_30 = arith.constant 192 : index
    %swap3A_31 = tpu.vector_load %arg9[%swap3A_30] {strides = array<i32>} : memref<512xf32, #tpu.memory_space<vmem>>, vector<16xf32>,
    tpu.vector_store %arg9[%swap3A_30], %broadcast_in_dim3A_1 {strides = array<i32>} : memref<512xf32, #tpu.memory_space<vmem>>, vector<16xf32>,
    %swap3A_32 = arith.constant 208 : index
    %swap3A_33 = tpu.vector_load %arg9[%swap3A_32] {strides = array<i32>} : memref<512xf32, #tpu.memory_space<vmem>>, vector<16xf32>,
    tpu.vector_store %arg9[%swap3A_32], %broadcast_in_dim3A_1 {strides = array<i32>} : memref<512xf32, #tpu.memory_space<vmem>>, vector<16xf32>,
    %swap3A_34 = arith.constant 224 : index
    %swap3A_35 = tpu.vector_load %arg9[%swap3A_34] {strides = array<i32>} : memref<512xf32, #tpu.memory_space<vmem>>, vector<16xf32>,
    tpu.vector_store %arg9[%swap3A_34], %broadcast_in_dim3A_1 {strides = array<i32>} : memref<512xf32, #tpu.memory_space<vmem>>, vector<16xf32>,
    %swap3A_36 = arith.constant 240 : index
    %swap3A_37 = tpu.vector_load %arg9[%swap3A_36] {strides = array<i32>} : memref<512xf32, #tpu.memory_space<vmem>>, vector<16xf32>,
    tpu.vector_store %arg9[%swap3A_36], %broadcast_in_dim3A_1 {strides = array<i32>} : memref<512xf32, #tpu.memory_space<vmem>>, vector<16xf32>,
    %swap3A_38 = arith.constant 256 : index
    %swap3A_39 = tpu.vector_load %arg9[%swap3A_38] {strides = array<i32>} : memref<512xf32, #tpu.memory_space<vmem>>, vector<16xf32>,
    tpu.vector_store %arg9[%swap3A_38], %broadcast_in_dim3A_1 {strides = array<i32>} : memref<512xf32, #tpu.memory_space<vmem>>, vector<16xf32>,
    %swap3A_40 = arith.constant 272 : index
    %swap3A_41 = tpu.vector_load %arg9[%swap3A_40] {strides = array<i32>} : memref<512xf32, #tpu.memory_space<vmem>>, vector<16xf32>,
    tpu.vector_store %arg9[%swap3A_40], %broadcast_in_dim3A_1 {strides = array<i32>} : memref<512xf32, #tpu.memory_space<vmem>>, vector<16xf32>,
    %swap3A_42 = arith.constant 288 : index
    %swap3A_43 = tpu.vector_load %arg9[%swap3A_42] {strides = array<i32>} : memref<512xf32, #tpu.memory_space<vmem>>, vector<16xf32>,
    tpu.vector_store %arg9[%swap3A_42], %broadcast_in_dim3A_1 {strides = array<i32>} : memref<512xf32, #tpu.memory_space<vmem>>, vector<16xf32>,
    %swap3A_44 = arith.constant 304 : index
    %swap3A_45 = tpu.vector_load %arg9[%swap3A_44] {strides = array<i32>} : memref<512xf32, #tpu.memory_space<vmem>>, vector<16xf32>,
    tpu.vector_store %arg9[%swap3A_44], %broadcast_in_dim3A_1 {strides = array<i32>} : memref<512xf32, #tpu.memory_space<vmem>>, vector<16xf32>,
    %swap3A_46 = arith.constant 320 : index
    %swap3A_47 = tpu.vector_load %arg9[%swap3A_46] {strides = array<i32>} : memref<512xf32, #tpu.memory_space<vmem>>, vector<16xf32>,
    tpu.vector_store %arg9[%swap3A_46], %broadcast_in_dim3A_1 {strides = array<i32>} : memref<512xf32, #tpu.memory_space<vmem>>, vector<16xf32>,
    %swap3A_48 = arith.constant 336 : index
    %swap3A_49 = tpu.vector_load %arg9[%swap3A_48] {strides = array<i32>} : memref<512xf32, #tpu.memory_space<vmem>>, vector<16xf32>,
    tpu.vector_store %arg9[%swap3A_48], %broadcast_in_dim3A_1 {strides = array<i32>} : memref<512xf32, #tpu.memory_space<vmem>>, vector<16xf32>,
    %swap3A_50 = arith.constant 352 : index
    %swap3A_51 = tpu.vector_load %arg9[%swap3A_50] {strides = array<i32>} : memref<512xf32, #tpu.memory_space<vmem>>, vector<16xf32>,
    tpu.vector_store %arg9[%swap3A_50], %broadcast_in_dim3A_1 {strides = array<i32>} : memref<512xf32, #tpu.memory_space<vmem>>, vector<16xf32>,
    %swap3A_52 = arith.constant 368 : index
    %swap3A_53 = tpu.vector_load %arg9[%swap3A_52] {strides = array<i32>} : memref<512xf32, #tpu.memory_space<vmem>>, vector<16xf32>,
    tpu.vector_store %arg9[%swap3A_52], %broadcast_in_dim3A_1 {strides = array<i32>} : memref<512xf32, #tpu.memory_space<vmem>>, vector<16xf32>,
    %swap3A_54 = arith.constant 384 : index
    %swap3A_55 = tpu.vector_load %arg9[%swap3A_54] {strides = array<i32>} : memref<512xf32, #tpu.memory_space<vmem>>, vector<16xf32>,
    tpu.vector_store %arg9[%swap3A_54], %broadcast_in_dim3A_1 {strides = array<i32>} : memref<512xf32, #tpu.memory_space<vmem>>, vector<16xf32>,
    %swap3A_56 = arith.constant 400 : index
    %swap3A_57 = tpu.vector_load %arg9[%swap3A_56] {strides = array<i32>} : memref<512xf32, #tpu.memory_space<vmem>>, vector<16xf32>,
    tpu.vector_store %arg9[%swap3A_56], %broadcast_in_dim3A_1 {strides = array<i32>} : memref<512xf32, #tpu.memory_space<vmem>>, vector<16xf32>,
    %swap3A_58 = arith.constant 416 : index
    %swap3A_59 = tpu.vector_load %arg9[%swap3A_58] {strides = array<i32>} : memref<512xf32, #tpu.memory_space<vmem>>, vector<16xf32>,
    tpu.vector_store %arg9[%swap3A_58], %broadcast_in_dim3A_1 {strides = array<i32>} : memref<512xf32, #tpu.memory_space<vmem>>, vector<16xf32>,
    %swap3A_60 = arith.constant 432 : index
    %swap3A_61 = tpu.vector_load %arg9[%swap3A_60] {strides = array<i32>} : memref<512xf32, #tpu.memory_space<vmem>>, vector<16xf32>,
    tpu.vector_store %arg9[%swap3A_60], %broadcast_in_dim3A_1 {strides = array<i32>} : memref<512xf32, #tpu.memory_space<vmem>>, vector<16xf32>,
    %swap3A_62 = arith.constant 448 : index
    %swap3A_63 = tpu.vector_load %arg9[%swap3A_62] {strides = array<i32>} : memref<512xf32, #tpu.memory_space<vmem>>, vector<16xf32>,
    tpu.vector_store %arg9[%swap3A_62], %broadcast_in_dim3A_1 {strides = array<i32>} : memref<512xf32, #tpu.memory_space<vmem>>, vector<16xf32>,
    %swap3A_64 = arith.constant 464 : index
    %swap3A_65 = tpu.vector_load %arg9[%swap3A_64] {strides = array<i32>} : memref<512xf32, #tpu.memory_space<vmem>>, vector<16xf32>,
    tpu.vector_store %arg9[%swap3A_64], %broadcast_in_dim3A_1 {strides = array<i32>} : memref<512xf32, #tpu.memory_space<vmem>>, vector<16xf32>,
    %swap3A_66 = arith.constant 480 : index
    %swap3A_67 = tpu.vector_load %arg9[%swap3A_66] {strides = array<i32>} : memref<512xf32, #tpu.memory_space<vmem>>, vector<16xf32>,
    tpu.vector_store %arg9[%swap3A_66], %broadcast_in_dim3A_1 {strides = array<i32>} : memref<512xf32, #tpu.memory_space<vmem>>, vector<16xf32>,
    %swap3A_68 = arith.constant 496 : index
    %swap3A_69 = tpu.vector_load %arg9[%swap3A_68] {strides = array<i32>} : memref<512xf32, #tpu.memory_space<vmem>>, vector<16xf32>,
    tpu.vector_store %arg9[%swap3A_68], %broadcast_in_dim3A_1 {strides = array<i32>} : memref<512xf32, #tpu.memory_space<vmem>>, vector<16xf32>,
    %dma_start3A = arith.constant 0 : i32
    %dma_start3A_70 = arith.constant 0 : i32
    %dma_start3A_71 = arith.constant 0 : i32
    %dma_start3A_72 = tpu.memref_slice %arg2[%add3A, %dma_start3A, %dma_start3A_70, %dma_start3A_71] : memref<32x3x32x4096xf32, #tpu.memory_space<hbm>> -> memref<1x3x32x256xf32, #tpu.memory_space<hbm>>
    %dma_start3A_73 = tpu.memref_squeeze %dma_start3A_72 : memref<1x3x32x256xf32, #tpu.memory_space<hbm>> -> memref<3x32x256xf32, #tpu.memory_space<hbm>>
    %dma_start3A_74 = arith.constant 0 : i32
    %dma_start3A_75 = arith.constant 0 : i32
    %dma_start3A_76 = arith.constant 0 : i32
    %dma_start3A_77 = tpu.memref_slice %arg2[%add3A, %dma_start3A_74, %dma_start3A_75, %dma_start3A_76] : memref<32x3x32x4096xf32, #tpu.memory_space<hbm>> -> memref<1x3x32x256xf32, #tpu.memory_space<hbm>>
    %dma_start3A_78 = tpu.memref_squeeze %dma_start3A_77 : memref<1x3x32x256xf32, #tpu.memory_space<hbm>> -> memref<3x32x256xf32, #tpu.memory_space<hbm>>
    tpu.enqueue_dma source(%dma_start3A_78 : memref<3x32x256xf32, #tpu.memory_space<hbm>>) target(%arg5 : memref<3x32x256xf32, #tpu.memory_space<vmem>>) target_semaphore(%arg10 : memref<!tpu.dma_semaphore, #tpu.memory_space<semaphore_mem>>)
    %scan3A = arith.constant 0 : i32
    %scan3A_79 = arith.constant 0 : i32
    %scan3A_80 = arith.constant 8 : i32
    %scan3A_81 = arith.addi %scan3A_79, %scan3A_80 : i32
    %scan3A_82 = arith.constant 1 : i32
    scf.for %scan3A_99 = %scan3A_79 to %scan3A_81 step %scan3A_82  : i32 {
      %mul3A_100 = arith.constant 2 : i32
      %mul3A_101 = arith.muli %scan3A_99, %mul3A_100 : i32
      %eq3A = arith.constant 0 : i32
      %eq3A_102 = arith.cmpi eq, %scan3A_99, %eq3A : i32
      %not3A = arith.constant true
      %not3A_103 = arith.xori %eq3A_102, %not3A : i1
      %convert_element_type3A = arith.extui %not3A_103 : i1 to i32
      %cond3A = arith.constant 0 : i32
      %cond3A_104 = arith.cmpi ne, %convert_element_type3A, %cond3A : i32
      scf.if %cond3A_104 {
        %mul3A_232 = arith.constant 4096 : i32
        %mul3A_233 = arith.muli %add3A, %mul3A_232 : i32
        %mul3A_234 = arith.constant 256 : i32
        %mul3A_235 = arith.muli %mul3A_101, %mul3A_234 : i32
        %add3A_236 = arith.addi %mul3A_233, %mul3A_235 : i32
        %dma_wait3A_237 = arith.constant 0 : i32
        %dma_wait3A_238 = tpu.memref_slice %arg4[%dma_wait3A_237, %add3A_236] : memref<30x131072xf32, #tpu.memory_space<hbm>> -> memref<30x256xf32, #tpu.memory_space<hbm>>
        %dma_wait3A_239 = arith.constant 0 : i32
        %dma_wait3A_240 = tpu.memref_slice %arg4[%dma_wait3A_239, %add3A_236] : memref<30x131072xf32, #tpu.memory_space<hbm>> -> memref<30x256xf32, #tpu.memory_space<hbm>>
        tpu.wait_dma2 semaphore(%arg13 : memref<!tpu.dma_semaphore, #tpu.memory_space<semaphore_mem>>) src(%arg7 : memref<30x256xf32, #tpu.memory_space<vmem>>) dst(%dma_wait3A_240 : memref<30x256xf32, #tpu.memory_space<hbm>>)
      } else {
      }
      %mul3A_105 = arith.constant 256 : i32
      %mul3A_106 = arith.muli %mul3A_101, %mul3A_105 : i32
      %dma_start3A_107 = arith.constant 3 : i32
      %dma_start3A_108 = arith.constant 0 : i32
      %dma_start3A_109 = tpu.memref_slice %arg7[%dma_start3A_107, %dma_start3A_108] : memref<30x256xf32, #tpu.memory_space<vmem>> -> memref<3x256xf32, #tpu.memory_space<vmem>>
      %dma_start3A_110 = arith.constant 0 : i32
      %dma_start3A_111 = tpu.memref_slice %arg3[%dma_start3A_110, %add3A, %mul3A_106] : memref<3x32x4096xf32, #tpu.memory_space<hbm>> -> memref<3x1x256xf32, #tpu.memory_space<hbm>>
      %dma_start3A_112 = tpu.memref_squeeze %dma_start3A_111 : memref<3x1x256xf32, #tpu.memory_space<hbm>> -> memref<3x256xf32, #tpu.memory_space<hbm>>
      %dma_start3A_113 = arith.constant 3 : i32
      %dma_start3A_114 = arith.constant 0 : i32
      %dma_start3A_115 = tpu.memref_slice %arg7[%dma_start3A_113, %dma_start3A_114] : memref<30x256xf32, #tpu.memory_space<vmem>> -> memref<3x256xf32, #tpu.memory_space<vmem>>
      %dma_start3A_116 = arith.constant 0 : i32
      %dma_start3A_117 = tpu.memref_slice %arg3[%dma_start3A_116, %add3A, %mul3A_106] : memref<3x32x4096xf32, #tpu.memory_space<hbm>> -> memref<3x1x256xf32, #tpu.memory_space<hbm>>
      %dma_start3A_118 = tpu.memref_squeeze %dma_start3A_117 : memref<3x1x256xf32, #tpu.memory_space<hbm>> -> memref<3x256xf32, #tpu.memory_space<hbm>>
      tpu.enqueue_dma source(%dma_start3A_118 : memref<3x256xf32, #tpu.memory_space<hbm>>) target(%dma_start3A_115 : memref<3x256xf32, #tpu.memory_space<vmem>>) target_semaphore(%arg12 : memref<!tpu.dma_semaphore, #tpu.memory_space<semaphore_mem>>)
      %add3A_119 = arith.constant 1 : i32
      %add3A_120 = arith.addi %mul3A_101, %add3A_119 : i32
      %mul3A_121 = arith.constant 256 : i32
      %mul3A_122 = arith.muli %add3A_120, %mul3A_121 : i32
      %dma_start3A_123 = arith.constant 0 : i32
      %dma_start3A_124 = arith.constant 0 : i32
      %dma_start3A_125 = tpu.memref_slice %arg2[%add3A, %dma_start3A_123, %dma_start3A_124, %mul3A_122] : memref<32x3x32x4096xf32, #tpu.memory_space<hbm>> -> memref<1x3x32x256xf32, #tpu.memory_space<hbm>>
      %dma_start3A_126 = tpu.memref_squeeze %dma_start3A_125 : memref<1x3x32x256xf32, #tpu.memory_space<hbm>> -> memref<3x32x256xf32, #tpu.memory_space<hbm>>
      %dma_start3A_127 = arith.constant 0 : i32
      %dma_start3A_128 = arith.constant 0 : i32
      %dma_start3A_129 = tpu.memref_slice %arg2[%add3A, %dma_start3A_127, %dma_start3A_128, %mul3A_122] : memref<32x3x32x4096xf32, #tpu.memory_space<hbm>> -> memref<1x3x32x256xf32, #tpu.memory_space<hbm>>
      %dma_start3A_130 = tpu.memref_squeeze %dma_start3A_129 : memref<1x3x32x256xf32, #tpu.memory_space<hbm>> -> memref<3x32x256xf32, #tpu.memory_space<hbm>>
      tpu.enqueue_dma source(%dma_start3A_130 : memref<3x32x256xf32, #tpu.memory_space<hbm>>) target(%arg6 : memref<3x32x256xf32, #tpu.memory_space<vmem>>) target_semaphore(%arg11 : memref<!tpu.dma_semaphore, #tpu.memory_space<semaphore_mem>>)
      %mul3A_131 = arith.constant 256 : i32
      %mul3A_132 = arith.muli %mul3A_101, %mul3A_131 : i32
      %dma_wait3A_133 = arith.constant 0 : i32
      %dma_wait3A_134 = arith.constant 0 : i32
      %dma_wait3A_135 = tpu.memref_slice %arg2[%add3A, %dma_wait3A_133, %dma_wait3A_134, %mul3A_132] : memref<32x3x32x4096xf32, #tpu.memory_space<hbm>> -> memref<1x3x32x256xf32, #tpu.memory_space<hbm>>
      %dma_wait3A_136 = tpu.memref_squeeze %dma_wait3A_135 : memref<1x3x32x256xf32, #tpu.memory_space<hbm>> -> memref<3x32x256xf32, #tpu.memory_space<hbm>>
      %dma_wait3A_137 = arith.constant 0 : i32
      %dma_wait3A_138 = arith.constant 0 : i32
      %dma_wait3A_139 = tpu.memref_slice %arg2[%add3A, %dma_wait3A_137, %dma_wait3A_138, %mul3A_132] : memref<32x3x32x4096xf32, #tpu.memory_space<hbm>> -> memref<1x3x32x256xf32, #tpu.memory_space<hbm>>
      %dma_wait3A_140 = tpu.memref_squeeze %dma_wait3A_139 : memref<1x3x32x256xf32, #tpu.memory_space<hbm>> -> memref<3x32x256xf32, #tpu.memory_space<hbm>>
      tpu.wait_dma2 semaphore(%arg10 : memref<!tpu.dma_semaphore, #tpu.memory_space<semaphore_mem>>) src(%dma_wait3A_140 : memref<3x32x256xf32, #tpu.memory_space<hbm>>) dst(%arg5 : memref<3x32x256xf32, #tpu.memory_space<vmem>>)
      %scan3A_141 = arith.constant 0 : i32
      %scan3A_142 = arith.constant 0 : i32
      %scan3A_143 = arith.constant 16 : i32
      %scan3A_144 = arith.addi %scan3A_142, %scan3A_143 : i32
      %scan3A_145 = arith.constant 1 : i32
      scf.for %scan3A_232 = %scan3A_142 to %scan3A_144 step %scan3A_145  : i32 {
        %mul3A_233 = arith.constant 16 : i32
        %mul3A_234 = arith.muli %scan3A_232, %mul3A_233 : i32
        %parallel_loop3A = arith.constant 0 : i32
        %parallel_loop3A_235 = arith.constant 32 : i32
        %parallel_loop3A_236 = arith.constant 1 : i32
        %parallel_loop3A_237:3 = scf.for %parallel_loop3A_355 = %parallel_loop3A to %parallel_loop3A_235 step %parallel_loop3A_236 iter_args(%parallel_loop3A_356 = %broadcast_in_dim3A_1, %parallel_loop3A_357 = %broadcast_in_dim3A_1, %parallel_loop3A_358 = %broadcast_in_dim3A_1) -> (vector<16xf32>, vector<16xf32>, vector<16xf32>)  : i32 {
          %parallel_loop3A_359 = arith.constant 0 : i32
          %parallel_loop3A_360 = arith.index_cast %parallel_loop3A_359 : i32 to index
          %parallel_loop3A_361 = arith.index_cast %parallel_loop3A_355 : i32 to index
          %parallel_loop3A_362 = arith.index_cast %mul3A_234 : i32 to index
          %parallel_loop3A_363 = tpu.vector_load %arg5[%parallel_loop3A_360, %parallel_loop3A_361, %parallel_loop3A_362] {strides = array<i32>} : memref<3x32x256xf32, #tpu.memory_space<vmem>>, vector<16xf32>,
          %parallel_loop3A_364 = arith.constant 1 : i32
          %parallel_loop3A_365 = arith.index_cast %parallel_loop3A_364 : i32 to index
          %parallel_loop3A_366 = arith.index_cast %parallel_loop3A_355 : i32 to index
          %parallel_loop3A_367 = arith.index_cast %mul3A_234 : i32 to index
          %parallel_loop3A_368 = tpu.vector_load %arg5[%parallel_loop3A_365, %parallel_loop3A_366, %parallel_loop3A_367] {strides = array<i32>} : memref<3x32x256xf32, #tpu.memory_space<vmem>>, vector<16xf32>,
          %parallel_loop3A_369 = arith.constant 2 : i32
          %parallel_loop3A_370 = arith.index_cast %parallel_loop3A_369 : i32 to index
          %parallel_loop3A_371 = arith.index_cast %parallel_loop3A_355 : i32 to index
          %parallel_loop3A_372 = arith.index_cast %mul3A_234 : i32 to index
          %parallel_loop3A_373 = tpu.vector_load %arg5[%parallel_loop3A_370, %parallel_loop3A_371, %parallel_loop3A_372] {strides = array<i32>} : memref<3x32x256xf32, #tpu.memory_space<vmem>>, vector<16xf32>,
          %parallel_loop3A_374 = arith.constant 0.000000e+00 : f32
          %parallel_loop3A_375 = vector.broadcast %parallel_loop3A_374 : f32 to vector<16xf32>
          %parallel_loop3A_376 = arith.cmpf ogt, %parallel_loop3A_363, %parallel_loop3A_375 : vector<16xf32>
          %parallel_loop3A_377 = arith.select %parallel_loop3A_376, %add3A_6, %iota3A : vector<16xi1>, vector<16xi32>
          %parallel_loop3A_378 = arith.constant 0.000000e+00 : f32
          %parallel_loop3A_379 = vector.broadcast %parallel_loop3A_378 : f32 to vector<16xf32>
          %parallel_loop3A_380 = arith.cmpf ogt, %parallel_loop3A_368, %parallel_loop3A_379 : vector<16xf32>
          %parallel_loop3A_381 = arith.constant 128 : i32
          %parallel_loop3A_382 = arith.constant 0 : i32
          %parallel_loop3A_383 = vector.broadcast %parallel_loop3A_381 : i32 to vector<16xi32>
          %parallel_loop3A_384 = vector.broadcast %parallel_loop3A_382 : i32 to vector<16xi32>
          %parallel_loop3A_385 = arith.select %parallel_loop3A_380, %parallel_loop3A_383, %parallel_loop3A_384 : vector<16xi1>, vector<16xi32>
          %parallel_loop3A_386 = arith.addi %parallel_loop3A_377, %parallel_loop3A_385 : vector<16xi32>
          %parallel_loop3A_387 = arith.constant 0.000000e+00 : f32
          %parallel_loop3A_388 = vector.broadcast %parallel_loop3A_387 : f32 to vector<16xf32>
          %parallel_loop3A_389 = arith.cmpf ogt, %parallel_loop3A_373, %parallel_loop3A_388 : vector<16xf32>
          %parallel_loop3A_390 = arith.constant 64 : i32
          %parallel_loop3A_391 = arith.constant 0 : i32
          %parallel_loop3A_392 = vector.broadcast %parallel_loop3A_390 : i32 to vector<16xi32>
          %parallel_loop3A_393 = vector.broadcast %parallel_loop3A_391 : i32 to vector<16xi32>
          %parallel_loop3A_394 = arith.select %parallel_loop3A_389, %parallel_loop3A_392, %parallel_loop3A_393 : vector<16xi1>, vector<16xi32>
          %parallel_loop3A_395 = arith.addi %parallel_loop3A_386, %parallel_loop3A_394 : vector<16xi32>
          tpu.vector_store_idx %arg9[%parallel_loop3A_395], %parallel_loop3A_363 {add = true} : memref<512xf32, #tpu.memory_space<vmem>>[vector<16xi32>], vector<16xf32>,
          %parallel_loop3A_396 = arith.constant 16 : i32
          %parallel_loop3A_397 = tpu.memref_slice %arg9[%parallel_loop3A_396] : memref<512xf32, #tpu.memory_space<vmem>> -> memref<496xf32, #tpu.memory_space<vmem>>
          tpu.vector_store_idx %parallel_loop3A_397[%parallel_loop3A_395], %parallel_loop3A_368 {add = true} : memref<496xf32, #tpu.memory_space<vmem>>[vector<16xi32>], vector<16xf32>,
          %parallel_loop3A_398 = arith.constant 32 : i32
          %parallel_loop3A_399 = tpu.memref_slice %arg9[%parallel_loop3A_398] : memref<512xf32, #tpu.memory_space<vmem>> -> memref<480xf32, #tpu.memory_space<vmem>>
          tpu.vector_store_idx %parallel_loop3A_399[%parallel_loop3A_395], %parallel_loop3A_373 {add = true} : memref<480xf32, #tpu.memory_space<vmem>>[vector<16xi32>], vector<16xf32>,
          %parallel_loop3A_400 = arith.constant 48 : i32
          %parallel_loop3A_401 = tpu.memref_slice %arg9[%parallel_loop3A_400] : memref<512xf32, #tpu.memory_space<vmem>> -> memref<464xf32, #tpu.memory_space<vmem>>
          tpu.vector_store_idx %parallel_loop3A_401[%parallel_loop3A_395], %broadcast_in_dim3A_3 {add = true} : memref<464xf32, #tpu.memory_space<vmem>>[vector<16xi32>], vector<16xf32>,
          %parallel_loop3A_402 = arith.mulf %parallel_loop3A_363, %parallel_loop3A_363 : vector<16xf32>
          %parallel_loop3A_403 = arith.addf %parallel_loop3A_356, %parallel_loop3A_402 : vector<16xf32>
          %parallel_loop3A_404 = arith.mulf %parallel_loop3A_368, %parallel_loop3A_368 : vector<16xf32>
          %parallel_loop3A_405 = arith.addf %parallel_loop3A_357, %parallel_loop3A_404 : vector<16xf32>
          %parallel_loop3A_406 = arith.mulf %parallel_loop3A_373, %parallel_loop3A_373 : vector<16xf32>
          %parallel_loop3A_407 = arith.addf %parallel_loop3A_358, %parallel_loop3A_406 : vector<16xf32>
          scf.yield %parallel_loop3A_403, %parallel_loop3A_405, %parallel_loop3A_407 : vector<16xf32>, vector<16xf32>, vector<16xf32>
        } {sc.loop_unroll_factor = 16 : i64, sc.parallel_access}
        %parallel_loop3A_238 = arith.constant 0 : i32
        %parallel_loop3A_239 = arith.constant 8 : i32
        %parallel_loop3A_240 = arith.constant 1 : i32
        %parallel_loop3A_241:3 = scf.for %parallel_loop3A_355 = %parallel_loop3A_238 to %parallel_loop3A_239 step %parallel_loop3A_240 iter_args(%parallel_loop3A_356 = %broadcast_in_dim3A_1, %parallel_loop3A_357 = %broadcast_in_dim3A_1, %parallel_loop3A_358 = %broadcast_in_dim3A_1) -> (vector<16xf32>, vector<16xf32>, vector<16xf32>)  : i32 {
          %parallel_loop3A_359 = arith.constant 64 : i32
          %parallel_loop3A_360 = arith.muli %parallel_loop3A_355, %parallel_loop3A_359 : i32
          %parallel_loop3A_361 = arith.constant 48 : i32
          %parallel_loop3A_362 = arith.addi %parallel_loop3A_360, %parallel_loop3A_361 : i32
          %parallel_loop3A_363 = arith.index_cast %parallel_loop3A_362 : i32 to index
          %parallel_loop3A_364 = tpu.vector_load %arg9[%parallel_loop3A_363] {strides = array<i32>} : memref<512xf32, #tpu.memory_space<vmem>>, vector<16xf32>,
          %parallel_loop3A_365 = arith.constant 1.000000e+00 : f32
          %parallel_loop3A_366 = vector.broadcast %parallel_loop3A_365 : f32 to vector<16xf32>
          %parallel_loop3A_367 = arith.maximumf %parallel_loop3A_364, %parallel_loop3A_366 : vector<16xf32>
          %parallel_loop3A_368 = arith.constant 1.000000e+00 : f32
          %parallel_loop3A_369 = vector.broadcast %parallel_loop3A_368 : f32 to vector<16xf32>
          %parallel_loop3A_370 = arith.divf %parallel_loop3A_369, %parallel_loop3A_367 : vector<16xf32>
          %parallel_loop3A_371 = arith.index_cast %parallel_loop3A_360 : i32 to index
          %parallel_loop3A_372 = tpu.vector_load %arg9[%parallel_loop3A_371] {strides = array<i32>} : memref<512xf32, #tpu.memory_space<vmem>>, vector<16xf32>,
          %parallel_loop3A_373 = arith.constant 16 : i32
          %parallel_loop3A_374 = arith.addi %parallel_loop3A_360, %parallel_loop3A_373 : i32
          %parallel_loop3A_375 = arith.index_cast %parallel_loop3A_374 : i32 to index
          %parallel_loop3A_376 = tpu.vector_load %arg9[%parallel_loop3A_375] {strides = array<i32>} : memref<512xf32, #tpu.memory_space<vmem>>, vector<16xf32>,
          %parallel_loop3A_377 = arith.constant 32 : i32
          %parallel_loop3A_378 = arith.addi %parallel_loop3A_360, %parallel_loop3A_377 : i32
          %parallel_loop3A_379 = arith.index_cast %parallel_loop3A_378 : i32 to index
          %parallel_loop3A_380 = tpu.vector_load %arg9[%parallel_loop3A_379] {strides = array<i32>} : memref<512xf32, #tpu.memory_space<vmem>>, vector<16xf32>,
          %parallel_loop3A_381 = arith.index_cast %parallel_loop3A_360 : i32 to index
          %parallel_loop3A_382 = tpu.vector_load %arg9[%parallel_loop3A_381] {strides = array<i32>} : memref<512xf32, #tpu.memory_space<vmem>>, vector<16xf32>,
          tpu.vector_store %arg9[%parallel_loop3A_381], %broadcast_in_dim3A_1 {strides = array<i32>} : memref<512xf32, #tpu.memory_space<vmem>>, vector<16xf32>,
          %parallel_loop3A_383 = arith.constant 16 : i32
          %parallel_loop3A_384 = arith.addi %parallel_loop3A_360, %parallel_loop3A_383 : i32
          %parallel_loop3A_385 = arith.index_cast %parallel_loop3A_384 : i32 to index
          %parallel_loop3A_386 = tpu.vector_load %arg9[%parallel_loop3A_385] {strides = array<i32>} : memref<512xf32, #tpu.memory_space<vmem>>, vector<16xf32>,
          tpu.vector_store %arg9[%parallel_loop3A_385], %broadcast_in_dim3A_1 {strides = array<i32>} : memref<512xf32, #tpu.memory_space<vmem>>, vector<16xf32>,
          %parallel_loop3A_387 = arith.constant 32 : i32
          %parallel_loop3A_388 = arith.addi %parallel_loop3A_360, %parallel_loop3A_387 : i32
          %parallel_loop3A_389 = arith.index_cast %parallel_loop3A_388 : i32 to index
          %parallel_loop3A_390 = tpu.vector_load %arg9[%parallel_loop3A_389] {strides = array<i32>} : memref<512xf32, #tpu.memory_space<vmem>>, vector<16xf32>,
          tpu.vector_store %arg9[%parallel_loop3A_389], %broadcast_in_dim3A_1 {strides = array<i32>} : memref<512xf32, #tpu.memory_space<vmem>>, vector<16xf32>,
          %parallel_loop3A_391 = arith.constant 48 : i32
          %parallel_loop3A_392 = arith.addi %parallel_loop3A_360, %parallel_loop3A_391 : i32
          %parallel_loop3A_393 = arith.index_cast %parallel_loop3A_392 : i32 to index
          %parallel_loop3A_394 = tpu.vector_load %arg9[%parallel_loop3A_393] {strides = array<i32>} : memref<512xf32, #tpu.memory_space<vmem>>, vector<16xf32>,
          tpu.vector_store %arg9[%parallel_loop3A_393], %broadcast_in_dim3A_1 {strides = array<i32>} : memref<512xf32, #tpu.memory_space<vmem>>, vector<16xf32>,
          %parallel_loop3A_395 = arith.constant 3 : i32
          %parallel_loop3A_396 = arith.muli %parallel_loop3A_355, %parallel_loop3A_395 : i32
          %parallel_loop3A_397 = arith.constant 6 : i32
          %parallel_loop3A_398 = arith.addi %parallel_loop3A_397, %parallel_loop3A_396 : i32
          %parallel_loop3A_399 = arith.mulf %parallel_loop3A_372, %parallel_loop3A_370 : vector<16xf32>
          %parallel_loop3A_400 = arith.index_cast %parallel_loop3A_398 : i32 to index
          %parallel_loop3A_401 = arith.index_cast %mul3A_234 : i32 to index
          %parallel_loop3A_402 = tpu.vector_load %arg7[%parallel_loop3A_400, %parallel_loop3A_401] {strides = array<i32>} : memref<30x256xf32, #tpu.memory_space<vmem>>, vector<16xf32>,
          tpu.vector_store %arg7[%parallel_loop3A_400, %parallel_loop3A_401], %parallel_loop3A_399 {strides = array<i32>} : memref<30x256xf32, #tpu.memory_space<vmem>>, vector<16xf32>,
          %parallel_loop3A_403 = arith.mulf %parallel_loop3A_376, %parallel_loop3A_370 : vector<16xf32>
          %parallel_loop3A_404 = arith.constant 1 : i32
          %parallel_loop3A_405 = arith.addi %parallel_loop3A_398, %parallel_loop3A_404 : i32
          %parallel_loop3A_406 = arith.index_cast %parallel_loop3A_405 : i32 to index
          %parallel_loop3A_407 = arith.index_cast %mul3A_234 : i32 to index
          %parallel_loop3A_408 = tpu.vector_load %arg7[%parallel_loop3A_406, %parallel_loop3A_407] {strides = array<i32>} : memref<30x256xf32, #tpu.memory_space<vmem>>, vector<16xf32>,
          tpu.vector_store %arg7[%parallel_loop3A_406, %parallel_loop3A_407], %parallel_loop3A_403 {strides = array<i32>} : memref<30x256xf32, #tpu.memory_space<vmem>>, vector<16xf32>,
          %parallel_loop3A_409 = arith.mulf %parallel_loop3A_380, %parallel_loop3A_370 : vector<16xf32>
          %parallel_loop3A_410 = arith.constant 2 : i32
          %parallel_loop3A_411 = arith.addi %parallel_loop3A_398, %parallel_loop3A_410 : i32
          %parallel_loop3A_412 = arith.index_cast %parallel_loop3A_411 : i32 to index
          %parallel_loop3A_413 = arith.index_cast %mul3A_234 : i32 to index
          %parallel_loop3A_414 = tpu.vector_load %arg7[%parallel_loop3A_412, %parallel_loop3A_413] {strides = array<i32>} : memref<30x256xf32, #tpu.memory_space<vmem>>, vector<16xf32>,
          tpu.vector_store %arg7[%parallel_loop3A_412, %parallel_loop3A_413], %parallel_loop3A_409 {strides = array<i32>} : memref<30x256xf32, #tpu.memory_space<vmem>>, vector<16xf32>,
          %parallel_loop3A_415 = arith.addf %parallel_loop3A_356, %parallel_loop3A_372 : vector<16xf32>
          %parallel_loop3A_416 = arith.addf %parallel_loop3A_357, %parallel_loop3A_376 : vector<16xf32>
          %parallel_loop3A_417 = arith.addf %parallel_loop3A_358, %parallel_loop3A_380 : vector<16xf32>
          scf.yield %parallel_loop3A_415, %parallel_loop3A_416, %parallel_loop3A_417 : vector<16xf32>, vector<16xf32>, vector<16xf32>
        } {sc.loop_unroll_factor = 8 : i64, sc.parallel_access}
        %mul3A_242 = arith.constant 0.0322580636 : f32
        %mul3A_243 = vector.broadcast %mul3A_242 : f32 to vector<16xf32>
        %mul3A_244 = arith.mulf %parallel_loop3A_237#0, %mul3A_243 : vector<16xf32>
        %mul3A_245 = arith.mulf %parallel_loop3A_241#0, %parallel_loop3A_241#0 : vector<16xf32>
        %mul3A_246 = arith.constant 0.00100806449 : f32
        %mul3A_247 = vector.broadcast %mul3A_246 : f32 to vector<16xf32>
        %mul3A_248 = arith.mulf %mul3A_245, %mul3A_247 : vector<16xf32>
        %sub3A = arith.subf %mul3A_244, %mul3A_248 : vector<16xf32>
        %max3A = arith.constant 0.000000e+00 : f32
        %max3A_249 = vector.broadcast %max3A : f32 to vector<16xf32>
        %max3A_250 = arith.maximumf %sub3A, %max3A_249 : vector<16xf32>
        %mul3A_251 = arith.constant 5.000000e-01 : f32
        %mul3A_252 = vector.broadcast %mul3A_251 : f32 to vector<16xf32>
        %mul3A_253 = arith.mulf %max3A_250, %mul3A_252 : vector<16xf32>
        %bitcast_convert_type3A = tpu.bitcast %max3A_250 : vector<16xf32> -> vector<16xi32>
        %shift_right_logical3A = arith.constant 1 : i32
        %shift_right_logical3A_254 = vector.broadcast %shift_right_logical3A : i32 to vector<16xi32>
        %shift_right_logical3A_255 = arith.shrui %bitcast_convert_type3A, %shift_right_logical3A_254 : vector<16xi32>
        %sub3A_256 = arith.constant 1597463007 : i32
        %sub3A_257 = vector.broadcast %sub3A_256 : i32 to vector<16xi32>
        %sub3A_258 = arith.subi %sub3A_257, %shift_right_logical3A_255 : vector<16xi32>
        %bitcast_convert_type3A_259 = tpu.bitcast %sub3A_258 : vector<16xi32> -> vector<16xf32>
        %mul3A_260 = arith.mulf %mul3A_253, %bitcast_convert_type3A_259 : vector<16xf32>
        %mul3A_261 = arith.mulf %mul3A_260, %bitcast_convert_type3A_259 : vector<16xf32>
        %sub3A_262 = arith.constant 1.500000e+00 : f32
        %sub3A_263 = vector.broadcast %sub3A_262 : f32 to vector<16xf32>
        %sub3A_264 = arith.subf %sub3A_263, %mul3A_261 : vector<16xf32>
        %mul3A_265 = arith.mulf %bitcast_convert_type3A_259, %sub3A_264 : vector<16xf32>
        %mul3A_266 = arith.mulf %mul3A_253, %mul3A_265 : vector<16xf32>
        %mul3A_267 = arith.mulf %mul3A_266, %mul3A_265 : vector<16xf32>
        %sub3A_268 = arith.constant 1.500000e+00 : f32
        %sub3A_269 = vector.broadcast %sub3A_268 : f32 to vector<16xf32>
        %sub3A_270 = arith.subf %sub3A_269, %mul3A_267 : vector<16xf32>
        %mul3A_271 = arith.mulf %mul3A_265, %sub3A_270 : vector<16xf32>
        %mul3A_272 = arith.mulf %max3A_250, %mul3A_271 : vector<16xf32>
        %swap3A_273 = arith.constant 0 : i32
        %swap3A_274 = arith.index_cast %swap3A_273 : i32 to index
        %swap3A_275 = arith.index_cast %mul3A_234 : i32 to index
        %swap3A_276 = tpu.vector_load %arg7[%swap3A_274, %swap3A_275] {strides = array<i32>} : memref<30x256xf32, #tpu.memory_space<vmem>>, vector<16xf32>,
        tpu.vector_store %arg7[%swap3A_274, %swap3A_275], %mul3A_272 {strides = array<i32>} : memref<30x256xf32, #tpu.memory_space<vmem>>, vector<16xf32>,
        %mul3A_277 = arith.constant 0.0322580636 : f32
        %mul3A_278 = vector.broadcast %mul3A_277 : f32 to vector<16xf32>
        %mul3A_279 = arith.mulf %parallel_loop3A_237#1, %mul3A_278 : vector<16xf32>
        %mul3A_280 = arith.mulf %parallel_loop3A_241#1, %parallel_loop3A_241#1 : vector<16xf32>
        %mul3A_281 = arith.constant 0.00100806449 : f32
        %mul3A_282 = vector.broadcast %mul3A_281 : f32 to vector<16xf32>
        %mul3A_283 = arith.mulf %mul3A_280, %mul3A_282 : vector<16xf32>
        %sub3A_284 = arith.subf %mul3A_279, %mul3A_283 : vector<16xf32>
        %max3A_285 = arith.constant 0.000000e+00 : f32
        %max3A_286 = vector.broadcast %max3A_285 : f32 to vector<16xf32>
        %max3A_287 = arith.maximumf %sub3A_284, %max3A_286 : vector<16xf32>
        %mul3A_288 = arith.constant 5.000000e-01 : f32
        %mul3A_289 = vector.broadcast %mul3A_288 : f32 to vector<16xf32>
        %mul3A_290 = arith.mulf %max3A_287, %mul3A_289 : vector<16xf32>
        %bitcast_convert_type3A_291 = tpu.bitcast %max3A_287 : vector<16xf32> -> vector<16xi32>
        %shift_right_logical3A_292 = arith.constant 1 : i32
        %shift_right_logical3A_293 = vector.broadcast %shift_right_logical3A_292 : i32 to vector<16xi32>
        %shift_right_logical3A_294 = arith.shrui %bitcast_convert_type3A_291, %shift_right_logical3A_293 : vector<16xi32>
        %sub3A_295 = arith.constant 1597463007 : i32
        %sub3A_296 = vector.broadcast %sub3A_295 : i32 to vector<16xi32>
        %sub3A_297 = arith.subi %sub3A_296, %shift_right_logical3A_294 : vector<16xi32>
        %bitcast_convert_type3A_298 = tpu.bitcast %sub3A_297 : vector<16xi32> -> vector<16xf32>
        %mul3A_299 = arith.mulf %mul3A_290, %bitcast_convert_type3A_298 : vector<16xf32>
        %mul3A_300 = arith.mulf %mul3A_299, %bitcast_convert_type3A_298 : vector<16xf32>
        %sub3A_301 = arith.constant 1.500000e+00 : f32
        %sub3A_302 = vector.broadcast %sub3A_301 : f32 to vector<16xf32>
        %sub3A_303 = arith.subf %sub3A_302, %mul3A_300 : vector<16xf32>
        %mul3A_304 = arith.mulf %bitcast_convert_type3A_298, %sub3A_303 : vector<16xf32>
        %mul3A_305 = arith.mulf %mul3A_290, %mul3A_304 : vector<16xf32>
        %mul3A_306 = arith.mulf %mul3A_305, %mul3A_304 : vector<16xf32>
        %sub3A_307 = arith.constant 1.500000e+00 : f32
        %sub3A_308 = vector.broadcast %sub3A_307 : f32 to vector<16xf32>
        %sub3A_309 = arith.subf %sub3A_308, %mul3A_306 : vector<16xf32>
        %mul3A_310 = arith.mulf %mul3A_304, %sub3A_309 : vector<16xf32>
        %mul3A_311 = arith.mulf %max3A_287, %mul3A_310 : vector<16xf32>
        %swap3A_312 = arith.constant 1 : i32
        %swap3A_313 = arith.index_cast %swap3A_312 : i32 to index
        %swap3A_314 = arith.index_cast %mul3A_234 : i32 to index
        %swap3A_315 = tpu.vector_load %arg7[%swap3A_313, %swap3A_314] {strides = array<i32>} : memref<30x256xf32, #tpu.memory_space<vmem>>, vector<16xf32>,
        tpu.vector_store %arg7[%swap3A_313, %swap3A_314], %mul3A_311 {strides = array<i32>} : memref<30x256xf32, #tpu.memory_space<vmem>>, vector<16xf32>,
        %mul3A_316 = arith.constant 0.0322580636 : f32
        %mul3A_317 = vector.broadcast %mul3A_316 : f32 to vector<16xf32>
        %mul3A_318 = arith.mulf %parallel_loop3A_237#2, %mul3A_317 : vector<16xf32>
        %mul3A_319 = arith.mulf %parallel_loop3A_241#2, %parallel_loop3A_241#2 : vector<16xf32>
        %mul3A_320 = arith.constant 0.00100806449 : f32
        %mul3A_321 = vector.broadcast %mul3A_320 : f32 to vector<16xf32>
        %mul3A_322 = arith.mulf %mul3A_319, %mul3A_321 : vector<16xf32>
        %sub3A_323 = arith.subf %mul3A_318, %mul3A_322 : vector<16xf32>
        %max3A_324 = arith.constant 0.000000e+00 : f32
        %max3A_325 = vector.broadcast %max3A_324 : f32 to vector<16xf32>
        %max3A_326 = arith.maximumf %sub3A_323, %max3A_325 : vector<16xf32>
        %mul3A_327 = arith.constant 5.000000e-01 : f32
        %mul3A_328 = vector.broadcast %mul3A_327 : f32 to vector<16xf32>
        %mul3A_329 = arith.mulf %max3A_326, %mul3A_328 : vector<16xf32>
        %bitcast_convert_type3A_330 = tpu.bitcast %max3A_326 : vector<16xf32> -> vector<16xi32>
        %shift_right_logical3A_331 = arith.constant 1 : i32
        %shift_right_logical3A_332 = vector.broadcast %shift_right_logical3A_331 : i32 to vector<16xi32>
        %shift_right_logical3A_333 = arith.shrui %bitcast_convert_type3A_330, %shift_right_logical3A_332 : vector<16xi32>
        %sub3A_334 = arith.constant 1597463007 : i32
        %sub3A_335 = vector.broadcast %sub3A_334 : i32 to vector<16xi32>
        %sub3A_336 = arith.subi %sub3A_335, %shift_right_logical3A_333 : vector<16xi32>
        %bitcast_convert_type3A_337 = tpu.bitcast %sub3A_336 : vector<16xi32> -> vector<16xf32>
        %mul3A_338 = arith.mulf %mul3A_329, %bitcast_convert_type3A_337 : vector<16xf32>
        %mul3A_339 = arith.mulf %mul3A_338, %bitcast_convert_type3A_337 : vector<16xf32>
        %sub3A_340 = arith.constant 1.500000e+00 : f32
        %sub3A_341 = vector.broadcast %sub3A_340 : f32 to vector<16xf32>
        %sub3A_342 = arith.subf %sub3A_341, %mul3A_339 : vector<16xf32>
        %mul3A_343 = arith.mulf %bitcast_convert_type3A_337, %sub3A_342 : vector<16xf32>
        %mul3A_344 = arith.mulf %mul3A_329, %mul3A_343 : vector<16xf32>
        %mul3A_345 = arith.mulf %mul3A_344, %mul3A_343 : vector<16xf32>
        %sub3A_346 = arith.constant 1.500000e+00 : f32
        %sub3A_347 = vector.broadcast %sub3A_346 : f32 to vector<16xf32>
        %sub3A_348 = arith.subf %sub3A_347, %mul3A_345 : vector<16xf32>
        %mul3A_349 = arith.mulf %mul3A_343, %sub3A_348 : vector<16xf32>
        %mul3A_350 = arith.mulf %max3A_326, %mul3A_349 : vector<16xf32>
        %swap3A_351 = arith.constant 2 : i32
        %swap3A_352 = arith.index_cast %swap3A_351 : i32 to index
        %swap3A_353 = arith.index_cast %mul3A_234 : i32 to index
        %swap3A_354 = tpu.vector_load %arg7[%swap3A_352, %swap3A_353] {strides = array<i32>} : memref<30x256xf32, #tpu.memory_space<vmem>>, vector<16xf32>,
        tpu.vector_store %arg7[%swap3A_352, %swap3A_353], %mul3A_350 {strides = array<i32>} : memref<30x256xf32, #tpu.memory_space<vmem>>, vector<16xf32>,
      }
      %scan3A_146 = arith.constant 16 : i32
      %dma_wait3A_147 = arith.constant 3 : i32
      %dma_wait3A_148 = arith.constant 0 : i32
      %dma_wait3A_149 = tpu.memref_slice %arg7[%dma_wait3A_147, %dma_wait3A_148] : memref<30x256xf32, #tpu.memory_space<vmem>> -> memref<3x256xf32, #tpu.memory_space<vmem>>
      %dma_wait3A_150 = arith.constant 0 : i32
      %dma_wait3A_151 = tpu.memref_slice %arg3[%dma_wait3A_150, %add3A, %mul3A_106] : memref<3x32x4096xf32, #tpu.memory_space<hbm>> -> memref<3x1x256xf32, #tpu.memory_space<hbm>>
      %dma_wait3A_152 = tpu.memref_squeeze %dma_wait3A_151 : memref<3x1x256xf32, #tpu.memory_space<hbm>> -> memref<3x256xf32, #tpu.memory_space<hbm>>
      %dma_wait3A_153 = arith.constant 3 : i32
      %dma_wait3A_154 = arith.constant 0 : i32
      %dma_wait3A_155 = tpu.memref_slice %arg7[%dma_wait3A_153, %dma_wait3A_154] : memref<30x256xf32, #tpu.memory_space<vmem>> -> memref<3x256xf32, #tpu.memory_space<vmem>>
      %dma_wait3A_156 = arith.constant 0 : i32
      %dma_wait3A_157 = tpu.memref_slice %arg3[%dma_wait3A_156, %add3A, %mul3A_106] : memref<3x32x4096xf32, #tpu.memory_space<hbm>> -> memref<3x1x256xf32, #tpu.memory_space<hbm>>
      %dma_wait3A_158 = tpu.memref_squeeze %dma_wait3A_157 : memref<3x1x256xf32, #tpu.memory_space<hbm>> -> memref<3x256xf32, #tpu.memory_space<hbm>>
      tpu.wait_dma2 semaphore(%arg12 : memref<!tpu.dma_semaphore, #tpu.memory_space<semaphore_mem>>) src(%dma_wait3A_158 : memref<3x256xf32, #tpu.memory_space<hbm>>) dst(%dma_wait3A_155 : memref<3x256xf32, #tpu.memory_space<vmem>>)
      %mul3A_159 = arith.constant 4096 : i32
      %mul3A_160 = arith.muli %add3A, %mul3A_159 : i32
      %mul3A_161 = arith.constant 256 : i32
      %mul3A_162 = arith.muli %mul3A_101, %mul3A_161 : i32
      %add3A_163 = arith.addi %mul3A_160, %mul3A_162 : i32
      %dma_start3A_164 = arith.constant 0 : i32
      %dma_start3A_165 = tpu.memref_slice %arg4[%dma_start3A_164, %add3A_163] : memref<30x131072xf32, #tpu.memory_space<hbm>> -> memref<30x256xf32, #tpu.memory_space<hbm>>
      %dma_start3A_166 = arith.constant 0 : i32
      %dma_start3A_167 = tpu.memref_slice %arg4[%dma_start3A_166, %add3A_163] : memref<30x131072xf32, #tpu.memory_space<hbm>> -> memref<30x256xf32, #tpu.memory_space<hbm>>
      tpu.enqueue_dma source(%arg7 : memref<30x256xf32, #tpu.memory_space<vmem>>) target(%dma_start3A_167 : memref<30x256xf32, #tpu.memory_space<hbm>>) target_semaphore(%arg13 : memref<!tpu.dma_semaphore, #tpu.memory_space<semaphore_mem>>)
      %add3A_168 = arith.constant 1 : i32
      %add3A_169 = arith.addi %scan3A_99, %add3A_168 : i32
      %lt3A = arith.constant 8 : i32
      %lt3A_170 = arith.cmpi slt, %add3A_169, %lt3A : i32
      %convert_element_type3A_171 = arith.extui %lt3A_170 : i1 to i32
      %cond3A_172 = arith.constant 0 : i32
      %cond3A_173 = arith.cmpi ne, %convert_element_type3A_171, %cond3A_172 : i32
      scf.if %cond3A_173 {
        %add3A_232 = arith.constant 2 : i32
        %add3A_233 = arith.addi %mul3A_101, %add3A_232 : i32
        %mul3A_234 = arith.constant 256 : i32
        %mul3A_235 = arith.muli %add3A_233, %mul3A_234 : i32
        %dma_start3A_236 = arith.constant 0 : i32
        %dma_start3A_237 = arith.constant 0 : i32
        %dma_start3A_238 = tpu.memref_slice %arg2[%add3A, %dma_start3A_236, %dma_start3A_237, %mul3A_235] : memref<32x3x32x4096xf32, #tpu.memory_space<hbm>> -> memref<1x3x32x256xf32, #tpu.memory_space<hbm>>
        %dma_start3A_239 = tpu.memref_squeeze %dma_start3A_238 : memref<1x3x32x256xf32, #tpu.memory_space<hbm>> -> memref<3x32x256xf32, #tpu.memory_space<hbm>>
        %dma_start3A_240 = arith.constant 0 : i32
        %dma_start3A_241 = arith.constant 0 : i32
        %dma_start3A_242 = tpu.memref_slice %arg2[%add3A, %dma_start3A_240, %dma_start3A_241, %mul3A_235] : memref<32x3x32x4096xf32, #tpu.memory_space<hbm>> -> memref<1x3x32x256xf32, #tpu.memory_space<hbm>>
        %dma_start3A_243 = tpu.memref_squeeze %dma_start3A_242 : memref<1x3x32x256xf32, #tpu.memory_space<hbm>> -> memref<3x32x256xf32, #tpu.memory_space<hbm>>
        tpu.enqueue_dma source(%dma_start3A_243 : memref<3x32x256xf32, #tpu.memory_space<hbm>>) target(%arg5 : memref<3x32x256xf32, #tpu.memory_space<vmem>>) target_semaphore(%arg10 : memref<!tpu.dma_semaphore, #tpu.memory_space<semaphore_mem>>)
      } else {
      }
      %add3A_174 = arith.constant 1 : i32
      %add3A_175 = arith.addi %mul3A_101, %add3A_174 : i32
      %not3A_176 = arith.constant true
      %not3A_177 = arith.xori %eq3A_102, %not3A_176 : i1
      %convert_element_type3A_178 = arith.extui %not3A_177 : i1 to i32
      %cond3A_179 = arith.constant 0 : i32
      %cond3A_180 = arith.cmpi ne, %convert_element_type3A_178, %cond3A_179 : i32
      scf.if %cond3A_180 {
        %mul3A_232 = arith.constant 4096 : i32
        %mul3A_233 = arith.muli %add3A, %mul3A_232 : i32
        %mul3A_234 = arith.constant 256 : i32
        %mul3A_235 = arith.muli %add3A_175, %mul3A_234 : i32
        %add3A_236 = arith.addi %mul3A_233, %mul3A_235 : i32
        %dma_wait3A_237 = arith.constant 0 : i32
        %dma_wait3A_238 = tpu.memref_slice %arg4[%dma_wait3A_237, %add3A_236] : memref<30x131072xf32, #tpu.memory_space<hbm>> -> memref<30x256xf32, #tpu.memory_space<hbm>>
        %dma_wait3A_239 = arith.constant 0 : i32
        %dma_wait3A_240 = tpu.memref_slice %arg4[%dma_wait3A_239, %add3A_236] : memref<30x131072xf32, #tpu.memory_space<hbm>> -> memref<30x256xf32, #tpu.memory_space<hbm>>
        tpu.wait_dma2 semaphore(%arg14 : memref<!tpu.dma_semaphore, #tpu.memory_space<semaphore_mem>>) src(%arg8 : memref<30x256xf32, #tpu.memory_space<vmem>>) dst(%dma_wait3A_240 : memref<30x256xf32, #tpu.memory_space<hbm>>)
      } else {
      }
      %mul3A_181 = arith.constant 256 : i32
      %mul3A_182 = arith.muli %add3A_175, %mul3A_181 : i32
      %dma_start3A_183 = arith.constant 3 : i32
      %dma_start3A_184 = arith.constant 0 : i32
      %dma_start3A_185 = tpu.memref_slice %arg8[%dma_start3A_183, %dma_start3A_184] : memref<30x256xf32, #tpu.memory_space<vmem>> -> memref<3x256xf32, #tpu.memory_space<vmem>>
      %dma_start3A_186 = arith.constant 0 : i32
      %dma_start3A_187 = tpu.memref_slice %arg3[%dma_start3A_186, %add3A, %mul3A_182] : memref<3x32x4096xf32, #tpu.memory_space<hbm>> -> memref<3x1x256xf32, #tpu.memory_space<hbm>>
      %dma_start3A_188 = tpu.memref_squeeze %dma_start3A_187 : memref<3x1x256xf32, #tpu.memory_space<hbm>> -> memref<3x256xf32, #tpu.memory_space<hbm>>
      %dma_start3A_189 = arith.constant 3 : i32
      %dma_start3A_190 = arith.constant 0 : i32
      %dma_start3A_191 = tpu.memref_slice %arg8[%dma_start3A_189, %dma_start3A_190] : memref<30x256xf32, #tpu.memory_space<vmem>> -> memref<3x256xf32, #tpu.memory_space<vmem>>
      %dma_start3A_192 = arith.constant 0 : i32
      %dma_start3A_193 = tpu.memref_slice %arg3[%dma_start3A_192, %add3A, %mul3A_182] : memref<3x32x4096xf32, #tpu.memory_space<hbm>> -> memref<3x1x256xf32, #tpu.memory_space<hbm>>
      %dma_start3A_194 = tpu.memref_squeeze %dma_start3A_193 : memref<3x1x256xf32, #tpu.memory_space<hbm>> -> memref<3x256xf32, #tpu.memory_space<hbm>>
      tpu.enqueue_dma source(%dma_start3A_194 : memref<3x256xf32, #tpu.memory_space<hbm>>) target(%dma_start3A_191 : memref<3x256xf32, #tpu.memory_space<vmem>>) target_semaphore(%arg12 : memref<!tpu.dma_semaphore, #tpu.memory_space<semaphore_mem>>)
      %mul3A_195 = arith.constant 256 : i32
      %mul3A_196 = arith.muli %add3A_175, %mul3A_195 : i32
      %dma_wait3A_197 = arith.constant 0 : i32
      %dma_wait3A_198 = arith.constant 0 : i32
      %dma_wait3A_199 = tpu.memref_slice %arg2[%add3A, %dma_wait3A_197, %dma_wait3A_198, %mul3A_196] : memref<32x3x32x4096xf32, #tpu.memory_space<hbm>> -> memref<1x3x32x256xf32, #tpu.memory_space<hbm>>
      %dma_wait3A_200 = tpu.memref_squeeze %dma_wait3A_199 : memref<1x3x32x256xf32, #tpu.memory_space<hbm>> -> memref<3x32x256xf32, #tpu.memory_space<hbm>>
      %dma_wait3A_201 = arith.constant 0 : i32
      %dma_wait3A_202 = arith.constant 0 : i32
      %dma_wait3A_203 = tpu.memref_slice %arg2[%add3A, %dma_wait3A_201, %dma_wait3A_202, %mul3A_196] : memref<32x3x32x4096xf32, #tpu.memory_space<hbm>> -> memref<1x3x32x256xf32, #tpu.memory_space<hbm>>
      %dma_wait3A_204 = tpu.memref_squeeze %dma_wait3A_203 : memref<1x3x32x256xf32, #tpu.memory_space<hbm>> -> memref<3x32x256xf32, #tpu.memory_space<hbm>>
      tpu.wait_dma2 semaphore(%arg11 : memref<!tpu.dma_semaphore, #tpu.memory_space<semaphore_mem>>) src(%dma_wait3A_204 : memref<3x32x256xf32, #tpu.memory_space<hbm>>) dst(%arg6 : memref<3x32x256xf32, #tpu.memory_space<vmem>>)
      %scan3A_205 = arith.constant 0 : i32
      %scan3A_206 = arith.constant 0 : i32
      %scan3A_207 = arith.constant 16 : i32
      %scan3A_208 = arith.addi %scan3A_206, %scan3A_207 : i32
      %scan3A_209 = arith.constant 1 : i32
      scf.for %scan3A_232 = %scan3A_206 to %scan3A_208 step %scan3A_209  : i32 {
        %mul3A_233 = arith.constant 16 : i32
        %mul3A_234 = arith.muli %scan3A_232, %mul3A_233 : i32
        %parallel_loop3A = arith.constant 0 : i32
        %parallel_loop3A_235 = arith.constant 32 : i32
        %parallel_loop3A_236 = arith.constant 1 : i32
        %parallel_loop3A_237:3 = scf.for %parallel_loop3A_355 = %parallel_loop3A to %parallel_loop3A_235 step %parallel_loop3A_236 iter_args(%parallel_loop3A_356 = %broadcast_in_dim3A_1, %parallel_loop3A_357 = %broadcast_in_dim3A_1, %parallel_loop3A_358 = %broadcast_in_dim3A_1) -> (vector<16xf32>, vector<16xf32>, vector<16xf32>)  : i32 {
          %parallel_loop3A_359 = arith.constant 0 : i32
          %parallel_loop3A_360 = arith.index_cast %parallel_loop3A_359 : i32 to index
          %parallel_loop3A_361 = arith.index_cast %parallel_loop3A_355 : i32 to index
          %parallel_loop3A_362 = arith.index_cast %mul3A_234 : i32 to index
          %parallel_loop3A_363 = tpu.vector_load %arg6[%parallel_loop3A_360, %parallel_loop3A_361, %parallel_loop3A_362] {strides = array<i32>} : memref<3x32x256xf32, #tpu.memory_space<vmem>>, vector<16xf32>,
          %parallel_loop3A_364 = arith.constant 1 : i32
          %parallel_loop3A_365 = arith.index_cast %parallel_loop3A_364 : i32 to index
          %parallel_loop3A_366 = arith.index_cast %parallel_loop3A_355 : i32 to index
          %parallel_loop3A_367 = arith.index_cast %mul3A_234 : i32 to index
          %parallel_loop3A_368 = tpu.vector_load %arg6[%parallel_loop3A_365, %parallel_loop3A_366, %parallel_loop3A_367] {strides = array<i32>} : memref<3x32x256xf32, #tpu.memory_space<vmem>>, vector<16xf32>,
          %parallel_loop3A_369 = arith.constant 2 : i32
          %parallel_loop3A_370 = arith.index_cast %parallel_loop3A_369 : i32 to index
          %parallel_loop3A_371 = arith.index_cast %parallel_loop3A_355 : i32 to index
          %parallel_loop3A_372 = arith.index_cast %mul3A_234 : i32 to index
          %parallel_loop3A_373 = tpu.vector_load %arg6[%parallel_loop3A_370, %parallel_loop3A_371, %parallel_loop3A_372] {strides = array<i32>} : memref<3x32x256xf32, #tpu.memory_space<vmem>>, vector<16xf32>,
          %parallel_loop3A_374 = arith.constant 0.000000e+00 : f32
          %parallel_loop3A_375 = vector.broadcast %parallel_loop3A_374 : f32 to vector<16xf32>
          %parallel_loop3A_376 = arith.cmpf ogt, %parallel_loop3A_363, %parallel_loop3A_375 : vector<16xf32>
          %parallel_loop3A_377 = arith.select %parallel_loop3A_376, %add3A_6, %iota3A : vector<16xi1>, vector<16xi32>
          %parallel_loop3A_378 = arith.constant 0.000000e+00 : f32
          %parallel_loop3A_379 = vector.broadcast %parallel_loop3A_378 : f32 to vector<16xf32>
          %parallel_loop3A_380 = arith.cmpf ogt, %parallel_loop3A_368, %parallel_loop3A_379 : vector<16xf32>
          %parallel_loop3A_381 = arith.constant 128 : i32
          %parallel_loop3A_382 = arith.constant 0 : i32
          %parallel_loop3A_383 = vector.broadcast %parallel_loop3A_381 : i32 to vector<16xi32>
          %parallel_loop3A_384 = vector.broadcast %parallel_loop3A_382 : i32 to vector<16xi32>
          %parallel_loop3A_385 = arith.select %parallel_loop3A_380, %parallel_loop3A_383, %parallel_loop3A_384 : vector<16xi1>, vector<16xi32>
          %parallel_loop3A_386 = arith.addi %parallel_loop3A_377, %parallel_loop3A_385 : vector<16xi32>
          %parallel_loop3A_387 = arith.constant 0.000000e+00 : f32
          %parallel_loop3A_388 = vector.broadcast %parallel_loop3A_387 : f32 to vector<16xf32>
          %parallel_loop3A_389 = arith.cmpf ogt, %parallel_loop3A_373, %parallel_loop3A_388 : vector<16xf32>
          %parallel_loop3A_390 = arith.constant 64 : i32
          %parallel_loop3A_391 = arith.constant 0 : i32
          %parallel_loop3A_392 = vector.broadcast %parallel_loop3A_390 : i32 to vector<16xi32>
          %parallel_loop3A_393 = vector.broadcast %parallel_loop3A_391 : i32 to vector<16xi32>
          %parallel_loop3A_394 = arith.select %parallel_loop3A_389, %parallel_loop3A_392, %parallel_loop3A_393 : vector<16xi1>, vector<16xi32>
          %parallel_loop3A_395 = arith.addi %parallel_loop3A_386, %parallel_loop3A_394 : vector<16xi32>
          tpu.vector_store_idx %arg9[%parallel_loop3A_395], %parallel_loop3A_363 {add = true} : memref<512xf32, #tpu.memory_space<vmem>>[vector<16xi32>], vector<16xf32>,
          %parallel_loop3A_396 = arith.constant 16 : i32
          %parallel_loop3A_397 = tpu.memref_slice %arg9[%parallel_loop3A_396] : memref<512xf32, #tpu.memory_space<vmem>> -> memref<496xf32, #tpu.memory_space<vmem>>
          tpu.vector_store_idx %parallel_loop3A_397[%parallel_loop3A_395], %parallel_loop3A_368 {add = true} : memref<496xf32, #tpu.memory_space<vmem>>[vector<16xi32>], vector<16xf32>,
          %parallel_loop3A_398 = arith.constant 32 : i32
          %parallel_loop3A_399 = tpu.memref_slice %arg9[%parallel_loop3A_398] : memref<512xf32, #tpu.memory_space<vmem>> -> memref<480xf32, #tpu.memory_space<vmem>>
          tpu.vector_store_idx %parallel_loop3A_399[%parallel_loop3A_395], %parallel_loop3A_373 {add = true} : memref<480xf32, #tpu.memory_space<vmem>>[vector<16xi32>], vector<16xf32>,
          %parallel_loop3A_400 = arith.constant 48 : i32
          %parallel_loop3A_401 = tpu.memref_slice %arg9[%parallel_loop3A_400] : memref<512xf32, #tpu.memory_space<vmem>> -> memref<464xf32, #tpu.memory_space<vmem>>
          tpu.vector_store_idx %parallel_loop3A_401[%parallel_loop3A_395], %broadcast_in_dim3A_3 {add = true} : memref<464xf32, #tpu.memory_space<vmem>>[vector<16xi32>], vector<16xf32>,
          %parallel_loop3A_402 = arith.mulf %parallel_loop3A_363, %parallel_loop3A_363 : vector<16xf32>
          %parallel_loop3A_403 = arith.addf %parallel_loop3A_356, %parallel_loop3A_402 : vector<16xf32>
          %parallel_loop3A_404 = arith.mulf %parallel_loop3A_368, %parallel_loop3A_368 : vector<16xf32>
          %parallel_loop3A_405 = arith.addf %parallel_loop3A_357, %parallel_loop3A_404 : vector<16xf32>
          %parallel_loop3A_406 = arith.mulf %parallel_loop3A_373, %parallel_loop3A_373 : vector<16xf32>
          %parallel_loop3A_407 = arith.addf %parallel_loop3A_358, %parallel_loop3A_406 : vector<16xf32>
          scf.yield %parallel_loop3A_403, %parallel_loop3A_405, %parallel_loop3A_407 : vector<16xf32>, vector<16xf32>, vector<16xf32>
        } {sc.loop_unroll_factor = 16 : i64, sc.parallel_access}
        %parallel_loop3A_238 = arith.constant 0 : i32
        %parallel_loop3A_239 = arith.constant 8 : i32
        %parallel_loop3A_240 = arith.constant 1 : i32
        %parallel_loop3A_241:3 = scf.for %parallel_loop3A_355 = %parallel_loop3A_238 to %parallel_loop3A_239 step %parallel_loop3A_240 iter_args(%parallel_loop3A_356 = %broadcast_in_dim3A_1, %parallel_loop3A_357 = %broadcast_in_dim3A_1, %parallel_loop3A_358 = %broadcast_in_dim3A_1) -> (vector<16xf32>, vector<16xf32>, vector<16xf32>)  : i32 {
          %parallel_loop3A_359 = arith.constant 64 : i32
          %parallel_loop3A_360 = arith.muli %parallel_loop3A_355, %parallel_loop3A_359 : i32
          %parallel_loop3A_361 = arith.constant 48 : i32
          %parallel_loop3A_362 = arith.addi %parallel_loop3A_360, %parallel_loop3A_361 : i32
          %parallel_loop3A_363 = arith.index_cast %parallel_loop3A_362 : i32 to index
          %parallel_loop3A_364 = tpu.vector_load %arg9[%parallel_loop3A_363] {strides = array<i32>} : memref<512xf32, #tpu.memory_space<vmem>>, vector<16xf32>,
          %parallel_loop3A_365 = arith.constant 1.000000e+00 : f32
          %parallel_loop3A_366 = vector.broadcast %parallel_loop3A_365 : f32 to vector<16xf32>
          %parallel_loop3A_367 = arith.maximumf %parallel_loop3A_364, %parallel_loop3A_366 : vector<16xf32>
          %parallel_loop3A_368 = arith.constant 1.000000e+00 : f32
          %parallel_loop3A_369 = vector.broadcast %parallel_loop3A_368 : f32 to vector<16xf32>
          %parallel_loop3A_370 = arith.divf %parallel_loop3A_369, %parallel_loop3A_367 : vector<16xf32>
          %parallel_loop3A_371 = arith.index_cast %parallel_loop3A_360 : i32 to index
          %parallel_loop3A_372 = tpu.vector_load %arg9[%parallel_loop3A_371] {strides = array<i32>} : memref<512xf32, #tpu.memory_space<vmem>>, vector<16xf32>,
          %parallel_loop3A_373 = arith.constant 16 : i32
          %parallel_loop3A_374 = arith.addi %parallel_loop3A_360, %parallel_loop3A_373 : i32
          %parallel_loop3A_375 = arith.index_cast %parallel_loop3A_374 : i32 to index
          %parallel_loop3A_376 = tpu.vector_load %arg9[%parallel_loop3A_375] {strides = array<i32>} : memref<512xf32, #tpu.memory_space<vmem>>, vector<16xf32>,
          %parallel_loop3A_377 = arith.constant 32 : i32
          %parallel_loop3A_378 = arith.addi %parallel_loop3A_360, %parallel_loop3A_377 : i32
          %parallel_loop3A_379 = arith.index_cast %parallel_loop3A_378 : i32 to index
          %parallel_loop3A_380 = tpu.vector_load %arg9[%parallel_loop3A_379] {strides = array<i32>} : memref<512xf32, #tpu.memory_space<vmem>>, vector<16xf32>,
          %parallel_loop3A_381 = arith.index_cast %parallel_loop3A_360 : i32 to index
          %parallel_loop3A_382 = tpu.vector_load %arg9[%parallel_loop3A_381] {strides = array<i32>} : memref<512xf32, #tpu.memory_space<vmem>>, vector<16xf32>,
          tpu.vector_store %arg9[%parallel_loop3A_381], %broadcast_in_dim3A_1 {strides = array<i32>} : memref<512xf32, #tpu.memory_space<vmem>>, vector<16xf32>,
          %parallel_loop3A_383 = arith.constant 16 : i32
          %parallel_loop3A_384 = arith.addi %parallel_loop3A_360, %parallel_loop3A_383 : i32
          %parallel_loop3A_385 = arith.index_cast %parallel_loop3A_384 : i32 to index
          %parallel_loop3A_386 = tpu.vector_load %arg9[%parallel_loop3A_385] {strides = array<i32>} : memref<512xf32, #tpu.memory_space<vmem>>, vector<16xf32>,
          tpu.vector_store %arg9[%parallel_loop3A_385], %broadcast_in_dim3A_1 {strides = array<i32>} : memref<512xf32, #tpu.memory_space<vmem>>, vector<16xf32>,
          %parallel_loop3A_387 = arith.constant 32 : i32
          %parallel_loop3A_388 = arith.addi %parallel_loop3A_360, %parallel_loop3A_387 : i32
          %parallel_loop3A_389 = arith.index_cast %parallel_loop3A_388 : i32 to index
          %parallel_loop3A_390 = tpu.vector_load %arg9[%parallel_loop3A_389] {strides = array<i32>} : memref<512xf32, #tpu.memory_space<vmem>>, vector<16xf32>,
          tpu.vector_store %arg9[%parallel_loop3A_389], %broadcast_in_dim3A_1 {strides = array<i32>} : memref<512xf32, #tpu.memory_space<vmem>>, vector<16xf32>,
          %parallel_loop3A_391 = arith.constant 48 : i32
          %parallel_loop3A_392 = arith.addi %parallel_loop3A_360, %parallel_loop3A_391 : i32
          %parallel_loop3A_393 = arith.index_cast %parallel_loop3A_392 : i32 to index
          %parallel_loop3A_394 = tpu.vector_load %arg9[%parallel_loop3A_393] {strides = array<i32>} : memref<512xf32, #tpu.memory_space<vmem>>, vector<16xf32>,
          tpu.vector_store %arg9[%parallel_loop3A_393], %broadcast_in_dim3A_1 {strides = array<i32>} : memref<512xf32, #tpu.memory_space<vmem>>, vector<16xf32>,
          %parallel_loop3A_395 = arith.constant 3 : i32
          %parallel_loop3A_396 = arith.muli %parallel_loop3A_355, %parallel_loop3A_395 : i32
          %parallel_loop3A_397 = arith.constant 6 : i32
          %parallel_loop3A_398 = arith.addi %parallel_loop3A_397, %parallel_loop3A_396 : i32
          %parallel_loop3A_399 = arith.mulf %parallel_loop3A_372, %parallel_loop3A_370 : vector<16xf32>
          %parallel_loop3A_400 = arith.index_cast %parallel_loop3A_398 : i32 to index
          %parallel_loop3A_401 = arith.index_cast %mul3A_234 : i32 to index
          %parallel_loop3A_402 = tpu.vector_load %arg8[%parallel_loop3A_400, %parallel_loop3A_401] {strides = array<i32>} : memref<30x256xf32, #tpu.memory_space<vmem>>, vector<16xf32>,
          tpu.vector_store %arg8[%parallel_loop3A_400, %parallel_loop3A_401], %parallel_loop3A_399 {strides = array<i32>} : memref<30x256xf32, #tpu.memory_space<vmem>>, vector<16xf32>,
          %parallel_loop3A_403 = arith.mulf %parallel_loop3A_376, %parallel_loop3A_370 : vector<16xf32>
          %parallel_loop3A_404 = arith.constant 1 : i32
          %parallel_loop3A_405 = arith.addi %parallel_loop3A_398, %parallel_loop3A_404 : i32
          %parallel_loop3A_406 = arith.index_cast %parallel_loop3A_405 : i32 to index
          %parallel_loop3A_407 = arith.index_cast %mul3A_234 : i32 to index
          %parallel_loop3A_408 = tpu.vector_load %arg8[%parallel_loop3A_406, %parallel_loop3A_407] {strides = array<i32>} : memref<30x256xf32, #tpu.memory_space<vmem>>, vector<16xf32>,
          tpu.vector_store %arg8[%parallel_loop3A_406, %parallel_loop3A_407], %parallel_loop3A_403 {strides = array<i32>} : memref<30x256xf32, #tpu.memory_space<vmem>>, vector<16xf32>,
          %parallel_loop3A_409 = arith.mulf %parallel_loop3A_380, %parallel_loop3A_370 : vector<16xf32>
          %parallel_loop3A_410 = arith.constant 2 : i32
          %parallel_loop3A_411 = arith.addi %parallel_loop3A_398, %parallel_loop3A_410 : i32
          %parallel_loop3A_412 = arith.index_cast %parallel_loop3A_411 : i32 to index
          %parallel_loop3A_413 = arith.index_cast %mul3A_234 : i32 to index
          %parallel_loop3A_414 = tpu.vector_load %arg8[%parallel_loop3A_412, %parallel_loop3A_413] {strides = array<i32>} : memref<30x256xf32, #tpu.memory_space<vmem>>, vector<16xf32>,
          tpu.vector_store %arg8[%parallel_loop3A_412, %parallel_loop3A_413], %parallel_loop3A_409 {strides = array<i32>} : memref<30x256xf32, #tpu.memory_space<vmem>>, vector<16xf32>,
          %parallel_loop3A_415 = arith.addf %parallel_loop3A_356, %parallel_loop3A_372 : vector<16xf32>
          %parallel_loop3A_416 = arith.addf %parallel_loop3A_357, %parallel_loop3A_376 : vector<16xf32>
          %parallel_loop3A_417 = arith.addf %parallel_loop3A_358, %parallel_loop3A_380 : vector<16xf32>
          scf.yield %parallel_loop3A_415, %parallel_loop3A_416, %parallel_loop3A_417 : vector<16xf32>, vector<16xf32>, vector<16xf32>
        } {sc.loop_unroll_factor = 8 : i64, sc.parallel_access}
        %mul3A_242 = arith.constant 0.0322580636 : f32
        %mul3A_243 = vector.broadcast %mul3A_242 : f32 to vector<16xf32>
        %mul3A_244 = arith.mulf %parallel_loop3A_237#0, %mul3A_243 : vector<16xf32>
        %mul3A_245 = arith.mulf %parallel_loop3A_241#0, %parallel_loop3A_241#0 : vector<16xf32>
        %mul3A_246 = arith.constant 0.00100806449 : f32
        %mul3A_247 = vector.broadcast %mul3A_246 : f32 to vector<16xf32>
        %mul3A_248 = arith.mulf %mul3A_245, %mul3A_247 : vector<16xf32>
        %sub3A = arith.subf %mul3A_244, %mul3A_248 : vector<16xf32>
        %max3A = arith.constant 0.000000e+00 : f32
        %max3A_249 = vector.broadcast %max3A : f32 to vector<16xf32>
        %max3A_250 = arith.maximumf %sub3A, %max3A_249 : vector<16xf32>
        %mul3A_251 = arith.constant 5.000000e-01 : f32
        %mul3A_252 = vector.broadcast %mul3A_251 : f32 to vector<16xf32>
        %mul3A_253 = arith.mulf %max3A_250, %mul3A_252 : vector<16xf32>
        %bitcast_convert_type3A = tpu.bitcast %max3A_250 : vector<16xf32> -> vector<16xi32>
        %shift_right_logical3A = arith.constant 1 : i32
        %shift_right_logical3A_254 = vector.broadcast %shift_right_logical3A : i32 to vector<16xi32>
        %shift_right_logical3A_255 = arith.shrui %bitcast_convert_type3A, %shift_right_logical3A_254 : vector<16xi32>
        %sub3A_256 = arith.constant 1597463007 : i32
        %sub3A_257 = vector.broadcast %sub3A_256 : i32 to vector<16xi32>
        %sub3A_258 = arith.subi %sub3A_257, %shift_right_logical3A_255 : vector<16xi32>
        %bitcast_convert_type3A_259 = tpu.bitcast %sub3A_258 : vector<16xi32> -> vector<16xf32>
        %mul3A_260 = arith.mulf %mul3A_253, %bitcast_convert_type3A_259 : vector<16xf32>
        %mul3A_261 = arith.mulf %mul3A_260, %bitcast_convert_type3A_259 : vector<16xf32>
        %sub3A_262 = arith.constant 1.500000e+00 : f32
        %sub3A_263 = vector.broadcast %sub3A_262 : f32 to vector<16xf32>
        %sub3A_264 = arith.subf %sub3A_263, %mul3A_261 : vector<16xf32>
        %mul3A_265 = arith.mulf %bitcast_convert_type3A_259, %sub3A_264 : vector<16xf32>
        %mul3A_266 = arith.mulf %mul3A_253, %mul3A_265 : vector<16xf32>
        %mul3A_267 = arith.mulf %mul3A_266, %mul3A_265 : vector<16xf32>
        %sub3A_268 = arith.constant 1.500000e+00 : f32
        %sub3A_269 = vector.broadcast %sub3A_268 : f32 to vector<16xf32>
        %sub3A_270 = arith.subf %sub3A_269, %mul3A_267 : vector<16xf32>
        %mul3A_271 = arith.mulf %mul3A_265, %sub3A_270 : vector<16xf32>
        %mul3A_272 = arith.mulf %max3A_250, %mul3A_271 : vector<16xf32>
        %swap3A_273 = arith.constant 0 : i32
        %swap3A_274 = arith.index_cast %swap3A_273 : i32 to index
        %swap3A_275 = arith.index_cast %mul3A_234 : i32 to index
        %swap3A_276 = tpu.vector_load %arg8[%swap3A_274, %swap3A_275] {strides = array<i32>} : memref<30x256xf32, #tpu.memory_space<vmem>>, vector<16xf32>,
        tpu.vector_store %arg8[%swap3A_274, %swap3A_275], %mul3A_272 {strides = array<i32>} : memref<30x256xf32, #tpu.memory_space<vmem>>, vector<16xf32>,
        %mul3A_277 = arith.constant 0.0322580636 : f32
        %mul3A_278 = vector.broadcast %mul3A_277 : f32 to vector<16xf32>
        %mul3A_279 = arith.mulf %parallel_loop3A_237#1, %mul3A_278 : vector<16xf32>
        %mul3A_280 = arith.mulf %parallel_loop3A_241#1, %parallel_loop3A_241#1 : vector<16xf32>
        %mul3A_281 = arith.constant 0.00100806449 : f32
        %mul3A_282 = vector.broadcast %mul3A_281 : f32 to vector<16xf32>
        %mul3A_283 = arith.mulf %mul3A_280, %mul3A_282 : vector<16xf32>
        %sub3A_284 = arith.subf %mul3A_279, %mul3A_283 : vector<16xf32>
        %max3A_285 = arith.constant 0.000000e+00 : f32
        %max3A_286 = vector.broadcast %max3A_285 : f32 to vector<16xf32>
        %max3A_287 = arith.maximumf %sub3A_284, %max3A_286 : vector<16xf32>
        %mul3A_288 = arith.constant 5.000000e-01 : f32
        %mul3A_289 = vector.broadcast %mul3A_288 : f32 to vector<16xf32>
        %mul3A_290 = arith.mulf %max3A_287, %mul3A_289 : vector<16xf32>
        %bitcast_convert_type3A_291 = tpu.bitcast %max3A_287 : vector<16xf32> -> vector<16xi32>
        %shift_right_logical3A_292 = arith.constant 1 : i32
        %shift_right_logical3A_293 = vector.broadcast %shift_right_logical3A_292 : i32 to vector<16xi32>
        %shift_right_logical3A_294 = arith.shrui %bitcast_convert_type3A_291, %shift_right_logical3A_293 : vector<16xi32>
        %sub3A_295 = arith.constant 1597463007 : i32
        %sub3A_296 = vector.broadcast %sub3A_295 : i32 to vector<16xi32>
        %sub3A_297 = arith.subi %sub3A_296, %shift_right_logical3A_294 : vector<16xi32>
        %bitcast_convert_type3A_298 = tpu.bitcast %sub3A_297 : vector<16xi32> -> vector<16xf32>
        %mul3A_299 = arith.mulf %mul3A_290, %bitcast_convert_type3A_298 : vector<16xf32>
        %mul3A_300 = arith.mulf %mul3A_299, %bitcast_convert_type3A_298 : vector<16xf32>
        %sub3A_301 = arith.constant 1.500000e+00 : f32
        %sub3A_302 = vector.broadcast %sub3A_301 : f32 to vector<16xf32>
        %sub3A_303 = arith.subf %sub3A_302, %mul3A_300 : vector<16xf32>
        %mul3A_304 = arith.mulf %bitcast_convert_type3A_298, %sub3A_303 : vector<16xf32>
        %mul3A_305 = arith.mulf %mul3A_290, %mul3A_304 : vector<16xf32>
        %mul3A_306 = arith.mulf %mul3A_305, %mul3A_304 : vector<16xf32>
        %sub3A_307 = arith.constant 1.500000e+00 : f32
        %sub3A_308 = vector.broadcast %sub3A_307 : f32 to vector<16xf32>
        %sub3A_309 = arith.subf %sub3A_308, %mul3A_306 : vector<16xf32>
        %mul3A_310 = arith.mulf %mul3A_304, %sub3A_309 : vector<16xf32>
        %mul3A_311 = arith.mulf %max3A_287, %mul3A_310 : vector<16xf32>
        %swap3A_312 = arith.constant 1 : i32
        %swap3A_313 = arith.index_cast %swap3A_312 : i32 to index
        %swap3A_314 = arith.index_cast %mul3A_234 : i32 to index
        %swap3A_315 = tpu.vector_load %arg8[%swap3A_313, %swap3A_314] {strides = array<i32>} : memref<30x256xf32, #tpu.memory_space<vmem>>, vector<16xf32>,
        tpu.vector_store %arg8[%swap3A_313, %swap3A_314], %mul3A_311 {strides = array<i32>} : memref<30x256xf32, #tpu.memory_space<vmem>>, vector<16xf32>,
        %mul3A_316 = arith.constant 0.0322580636 : f32
        %mul3A_317 = vector.broadcast %mul3A_316 : f32 to vector<16xf32>
        %mul3A_318 = arith.mulf %parallel_loop3A_237#2, %mul3A_317 : vector<16xf32>
        %mul3A_319 = arith.mulf %parallel_loop3A_241#2, %parallel_loop3A_241#2 : vector<16xf32>
        %mul3A_320 = arith.constant 0.00100806449 : f32
        %mul3A_321 = vector.broadcast %mul3A_320 : f32 to vector<16xf32>
        %mul3A_322 = arith.mulf %mul3A_319, %mul3A_321 : vector<16xf32>
        %sub3A_323 = arith.subf %mul3A_318, %mul3A_322 : vector<16xf32>
        %max3A_324 = arith.constant 0.000000e+00 : f32
        %max3A_325 = vector.broadcast %max3A_324 : f32 to vector<16xf32>
        %max3A_326 = arith.maximumf %sub3A_323, %max3A_325 : vector<16xf32>
        %mul3A_327 = arith.constant 5.000000e-01 : f32
        %mul3A_328 = vector.broadcast %mul3A_327 : f32 to vector<16xf32>
        %mul3A_329 = arith.mulf %max3A_326, %mul3A_328 : vector<16xf32>
        %bitcast_convert_type3A_330 = tpu.bitcast %max3A_326 : vector<16xf32> -> vector<16xi32>
        %shift_right_logical3A_331 = arith.constant 1 : i32
        %shift_right_logical3A_332 = vector.broadcast %shift_right_logical3A_331 : i32 to vector<16xi32>
        %shift_right_logical3A_333 = arith.shrui %bitcast_convert_type3A_330, %shift_right_logical3A_332 : vector<16xi32>
        %sub3A_334 = arith.constant 1597463007 : i32
        %sub3A_335 = vector.broadcast %sub3A_334 : i32 to vector<16xi32>
        %sub3A_336 = arith.subi %sub3A_335, %shift_right_logical3A_333 : vector<16xi32>
        %bitcast_convert_type3A_337 = tpu.bitcast %sub3A_336 : vector<16xi32> -> vector<16xf32>
        %mul3A_338 = arith.mulf %mul3A_329, %bitcast_convert_type3A_337 : vector<16xf32>
        %mul3A_339 = arith.mulf %mul3A_338, %bitcast_convert_type3A_337 : vector<16xf32>
        %sub3A_340 = arith.constant 1.500000e+00 : f32
        %sub3A_341 = vector.broadcast %sub3A_340 : f32 to vector<16xf32>
        %sub3A_342 = arith.subf %sub3A_341, %mul3A_339 : vector<16xf32>
        %mul3A_343 = arith.mulf %bitcast_convert_type3A_337, %sub3A_342 : vector<16xf32>
        %mul3A_344 = arith.mulf %mul3A_329, %mul3A_343 : vector<16xf32>
        %mul3A_345 = arith.mulf %mul3A_344, %mul3A_343 : vector<16xf32>
        %sub3A_346 = arith.constant 1.500000e+00 : f32
        %sub3A_347 = vector.broadcast %sub3A_346 : f32 to vector<16xf32>
        %sub3A_348 = arith.subf %sub3A_347, %mul3A_345 : vector<16xf32>
        %mul3A_349 = arith.mulf %mul3A_343, %sub3A_348 : vector<16xf32>
        %mul3A_350 = arith.mulf %max3A_326, %mul3A_349 : vector<16xf32>
        %swap3A_351 = arith.constant 2 : i32
        %swap3A_352 = arith.index_cast %swap3A_351 : i32 to index
        %swap3A_353 = arith.index_cast %mul3A_234 : i32 to index
        %swap3A_354 = tpu.vector_load %arg8[%swap3A_352, %swap3A_353] {strides = array<i32>} : memref<30x256xf32, #tpu.memory_space<vmem>>, vector<16xf32>,
        tpu.vector_store %arg8[%swap3A_352, %swap3A_353], %mul3A_350 {strides = array<i32>} : memref<30x256xf32, #tpu.memory_space<vmem>>, vector<16xf32>,
      }
      %scan3A_210 = arith.constant 16 : i32
      %dma_wait3A_211 = arith.constant 3 : i32
      %dma_wait3A_212 = arith.constant 0 : i32
      %dma_wait3A_213 = tpu.memref_slice %arg8[%dma_wait3A_211, %dma_wait3A_212] : memref<30x256xf32, #tpu.memory_space<vmem>> -> memref<3x256xf32, #tpu.memory_space<vmem>>
      %dma_wait3A_214 = arith.constant 0 : i32
      %dma_wait3A_215 = tpu.memref_slice %arg3[%dma_wait3A_214, %add3A, %mul3A_182] : memref<3x32x4096xf32, #tpu.memory_space<hbm>> -> memref<3x1x256xf32, #tpu.memory_space<hbm>>
      %dma_wait3A_216 = tpu.memref_squeeze %dma_wait3A_215 : memref<3x1x256xf32, #tpu.memory_space<hbm>> -> memref<3x256xf32, #tpu.memory_space<hbm>>
      %dma_wait3A_217 = arith.constant 3 : i32
      %dma_wait3A_218 = arith.constant 0 : i32
      %dma_wait3A_219 = tpu.memref_slice %arg8[%dma_wait3A_217, %dma_wait3A_218] : memref<30x256xf32, #tpu.memory_space<vmem>> -> memref<3x256xf32, #tpu.memory_space<vmem>>
      %dma_wait3A_220 = arith.constant 0 : i32
      %dma_wait3A_221 = tpu.memref_slice %arg3[%dma_wait3A_220, %add3A, %mul3A_182] : memref<3x32x4096xf32, #tpu.memory_space<hbm>> -> memref<3x1x256xf32, #tpu.memory_space<hbm>>
      %dma_wait3A_222 = tpu.memref_squeeze %dma_wait3A_221 : memref<3x1x256xf32, #tpu.memory_space<hbm>> -> memref<3x256xf32, #tpu.memory_space<hbm>>
      tpu.wait_dma2 semaphore(%arg12 : memref<!tpu.dma_semaphore, #tpu.memory_space<semaphore_mem>>) src(%dma_wait3A_222 : memref<3x256xf32, #tpu.memory_space<hbm>>) dst(%dma_wait3A_219 : memref<3x256xf32, #tpu.memory_space<vmem>>)
      %mul3A_223 = arith.constant 4096 : i32
      %mul3A_224 = arith.muli %add3A, %mul3A_223 : i32
      %mul3A_225 = arith.constant 256 : i32
      %mul3A_226 = arith.muli %add3A_175, %mul3A_225 : i32
      %add3A_227 = arith.addi %mul3A_224, %mul3A_226 : i32
      %dma_start3A_228 = arith.constant 0 : i32
      %dma_start3A_229 = tpu.memref_slice %arg4[%dma_start3A_228, %add3A_227] : memref<30x131072xf32, #tpu.memory_space<hbm>> -> memref<30x256xf32, #tpu.memory_space<hbm>>
      %dma_start3A_230 = arith.constant 0 : i32
      %dma_start3A_231 = tpu.memref_slice %arg4[%dma_start3A_230, %add3A_227] : memref<30x131072xf32, #tpu.memory_space<hbm>> -> memref<30x256xf32, #tpu.memory_space<hbm>>
      tpu.enqueue_dma source(%arg8 : memref<30x256xf32, #tpu.memory_space<vmem>>) target(%dma_start3A_231 : memref<30x256xf32, #tpu.memory_space<hbm>>) target_semaphore(%arg14 : memref<!tpu.dma_semaphore, #tpu.memory_space<semaphore_mem>>)
    }
    %scan3A_83 = arith.constant 8 : i32
    %mul3A_84 = arith.constant 4096 : i32
    %mul3A_85 = arith.muli %add3A, %mul3A_84 : i32
    %add3A_86 = arith.constant 3584 : i32
    %add3A_87 = arith.addi %mul3A_85, %add3A_86 : i32
    %dma_wait3A = arith.constant 0 : i32
    %dma_wait3A_88 = tpu.memref_slice %arg4[%dma_wait3A, %add3A_87] : memref<30x131072xf32, #tpu.memory_space<hbm>> -> memref<30x256xf32, #tpu.memory_space<hbm>>
    %dma_wait3A_89 = arith.constant 0 : i32
    %dma_wait3A_90 = tpu.memref_slice %arg4[%dma_wait3A_89, %add3A_87] : memref<30x131072xf32, #tpu.memory_space<hbm>> -> memref<30x256xf32, #tpu.memory_space<hbm>>
    tpu.wait_dma2 semaphore(%arg13 : memref<!tpu.dma_semaphore, #tpu.memory_space<semaphore_mem>>) src(%arg7 : memref<30x256xf32, #tpu.memory_space<vmem>>) dst(%dma_wait3A_90 : memref<30x256xf32, #tpu.memory_space<hbm>>)
    %mul3A_91 = arith.constant 4096 : i32
    %mul3A_92 = arith.muli %add3A, %mul3A_91 : i32
    %add3A_93 = arith.constant 3840 : i32
    %add3A_94 = arith.addi %mul3A_92, %add3A_93 : i32
    %dma_wait3A_95 = arith.constant 0 : i32
    %dma_wait3A_96 = tpu.memref_slice %arg4[%dma_wait3A_95, %add3A_94] : memref<30x131072xf32, #tpu.memory_space<hbm>> -> memref<30x256xf32, #tpu.memory_space<hbm>>
    %dma_wait3A_97 = arith.constant 0 : i32
    %dma_wait3A_98 = tpu.memref_slice %arg4[%dma_wait3A_97, %add3A_94] : memref<30x131072xf32, #tpu.memory_space<hbm>> -> memref<30x256xf32, #tpu.memory_space<hbm>>
    tpu.wait_dma2 semaphore(%arg14 : memref<!tpu.dma_semaphore, #tpu.memory_space<semaphore_mem>>) src(%arg8 : memref<30x256xf32, #tpu.memory_space<vmem>>) dst(%dma_wait3A_98 : memref<30x256xf32, #tpu.memory_space<hbm>>)
    return
  }
}

</mosaic_0001>

<sc_bundles>
// kernel: kernel.3.cloned.1.call-start
scs
__scs_entry_jumppad:
0x0: {  	(pc) =	sbr.rel $0x88, $3  }
0x1: {  	(tag) =	ssettag $0x0;
	lr =	simm.s32 $0x1  }
0x2: {  	[smem:$0x3F9F] =	sst lr;
	_ =	strace $0xD0000000  }
0x3: {  	_ = 	snop  }
0x4: {  	_ = 	snop  }
0x5: {  	_ = 	snop  }
0x6: {  	_ = 	snop  }
0x7: {  	_ = 	snop  }
__scs_overlays_trampoline_lowered:
0x8: {  	[smem:$0x3FAE] =	sst s0  }
0x9: {  	[smem:$0x3FAF] =	sst s1  }
0xa: {  	[smem:$0x3FB0] =	sst s2  }
0xb: {  	[smem:$0x3FB1] =	sst s3  }
0xc: {  	[smem:$0x3FB2] =	sst s4  }
0xd: {  	[smem:$0x3FB3] =	sst s5  }
0xe: {  	[smem:$0x3FB4] =	sst s6  }
0xf: {  	[smem:$0x3FB5] =	sst s7  }
0x10: {  	[smem:$0x3FB6] =	sst s8  }
0x11: {  	[smem:$0x3FB7] =	sst s9;
	s0 =	simm.s32 @!p0 $0x0  }
0x12: {  	s1 =	sld [smem:$0x3F9D];
	s0 =	simm.s32 @p0 $0x1  }
0x13: {  	[smem:$0x3FB8] =	sst s0;
	s0 =	simm.s32 @!p1 $0x0  }
0x14: {  	s2 =	sld [smem:$0x3F9C];
	s0 =	simm.s32 @p1 $0x1  }
0x15: {  	[smem:$0x3FB9] =	sst s0;
	s0 =	simm.s32 @!p2 $0x0  }
0x16: {  	s3 =	sld [smem:$0x3FDB];
	s0 =	simm.s32 @p2 $0x1  }
0x17: {  	s4 =	simm.s32 $0x1BF5;
	[smem:$0x3FBB] =	sst s0  }
0x18: {  	s0 =	sld [smem:$0x3F9E];
	_ =	swait.ge [sflag:s4], $0x0  }
0x19: {  	s7 =	sld [smem:$0x3F9F]  }
0x1a: {  	s8 =	sadd.s32 $0xFFFFE003, lr  }
0x1b: {  	s9 =	sadd.s32 $0xFFFFFEF7, lr;
	s5 =	simm.s32 $0xFFFFFFFF;
	p2 =	slt.u32 s8, $0xFFFFF086  }
0x1c: {  	p1 =	slt.u32 s9, $0xF7A;
	s5 =	simm.s32 @!p2 $0x0  }
0x1d: {  	s5 =	simm.s32 @p1 $0x1;
	p0 =	seq.s32 s7, s2  }
0x1e: {  	s7 =	smul.u32 @!p0 $0xF7A, s2;
	p2 =	seq.s32 @!p0 s5, $0x0  }
0x1f: {  	s9 =	smul.u32 $0xF7A, s1;
	s8 =	simm.s32 @!p0 $0x1BF5;
	p2 =	por !p2, p0  }
0x20: {  	[sflag:s8] =	ssyncset.s32 @!p0 $0xFFFFF086;
	s6 =	sadd.s32 @!p0 s3, s7;
	s7 =	simm.s32 @!p0 $0x108  }
0x21: {  	s3 =	sadd.s32 s3, s9;
	s6 =	sadd.s32 @!p0 $0x88, s6;
	s7 =	simm.s32 @p2 $0x1082  }
0x22: {  	[simem:s7], [sflag:s8] =	dma.local @!p0 [hbm:s6], $0xF7A  }
0x23: {  	s9 =	sor.u32 $0xD0000000, s2;
	s6 =	simm.s32 $0x108;
	_ =	swait.ge @!p0 [sflag:s8], $0x0  }
0x24: {  	s3 =	sadd.s32 $0x88, s3;
	s6 =	simm.s32 @!p1 $0x1082;
	[sflag:s4] =	ssyncset.s32 $0xFFFFF086  }
0x25: {  	[simem:s6], [sflag:s4] =	dma.local [hbm:s3], $0xF7A  }
0x26: {  	[smem:$0x3F9F] =	sst s1;
	(tag) =	ssettag s2;
	_ =	strace s9  }
0x27: {  	s1 =	sld [smem:$0x3FAF]  }
0x28: {  	s2 =	sld [smem:$0x3FB0]  }
0x29: {  	s4 =	sld [smem:$0x3FB2]  }
0x2a: {  	p0 =	seq.s32 s5, $0x0;
	s5 =	sld [smem:$0x3FB3]  }
0x2b: {  	s6 =	sld [smem:$0x3FB4]  }
0x2c: {  	s7 =	sld [smem:$0x3FB5]  }
0x2d: {  	s3 =	simm.s32 $0x108;
	s8 =	sld [smem:$0x3FB6]  }
0x2e: {  	s3 =	simm.s32 @!p0 $0x1082;
	s9 =	sld [smem:$0x3FB7]  }
0x2f: {  	lr =	sadd.s32 s0, s3;
	s0 =	sld [smem:$0x3FAE]  }
0x30: {  	s3 =	sld [smem:$0x3FB1]  }
0x31: {  	[smem:$0x3FBA] =	sst s10  }
0x32: {  	s10 =	sld [smem:$0x3FB8];
	_ =	sdelay $0x3  }
0x33: {  	p0 =	seq.s32 s10, $0x1;
	s10 =	sld [smem:$0x3FBA];
	_ =	sdelay $0x3  }
0x34: {  	[smem:$0x3FBA] =	sst s10  }
0x35: {  	s10 =	sld [smem:$0x3FB9];
	_ =	sdelay $0x3  }
0x36: {  	p1 =	seq.s32 s10, $0x1;
	s10 =	sld [smem:$0x3FBA];
	_ =	sdelay $0x3  }
0x37: {  	[smem:$0x3FBA] =	sst s10  }
0x38: {  	s10 =	sld [smem:$0x3FBB]  }
0x39: {  	_ = 	snop;
	(pc) =	sbr.ind lr, $3  }
0x3a: {  	_ = 	snop  }
0x3b: {  	_ = 	snop  }
0x3c: {  	p2 =	seq.s32 s10, $0x1;
	s10 =	sld [smem:$0x3FBA]  }
0x3d: {  	_ =	shalt  }
0x3e: {  	_ =	shalt  }
0x3f: {  	_ =	shalt  }
0x40: {  	_ =	shalt  }
0x41: {  	_ =	shalt  }
0x42: {  	_ =	shalt  }
0x43: {  	_ =	shalt  }
0x44: {  	_ =	shalt  }
0x45: {  	_ =	shalt  }
0x46: {  	_ =	shalt  }
0x47: {  	_ =	shalt  }
0x48: {  	_ =	shalt  }
0x49: {  	_ =	shalt  }
0x4a: {  	_ =	shalt  }
0x4b: {  	_ =	shalt  }
0x4c: {  	_ =	shalt  }
0x4d: {  	_ =	shalt  }
0x4e: {  	_ =	shalt  }
0x4f: {  	_ =	shalt  }
0x50: {  	_ =	shalt  }
0x51: {  	_ =	shalt  }
0x52: {  	_ =	shalt  }
0x53: {  	_ =	shalt  }
0x54: {  	_ =	shalt  }
0x55: {  	_ =	shalt  }
0x56: {  	_ =	shalt  }
0x57: {  	_ =	shalt  }
0x58: {  	_ =	shalt  }
0x59: {  	_ =	shalt  }
0x5a: {  	_ =	shalt  }
0x5b: {  	_ =	shalt  }
0x5c: {  	_ =	shalt  }
0x5d: {  	_ =	shalt  }
0x5e: {  	_ =	shalt  }
0x5f: {  	_ =	shalt  }
0x60: {  	_ =	shalt  }
0x61: {  	_ =	shalt  }
0x62: {  	_ =	shalt  }
0x63: {  	_ =	shalt  }
0x64: {  	_ =	shalt  }
0x65: {  	_ =	shalt  }
0x66: {  	_ =	shalt  }
0x67: {  	_ =	shalt  }
0x68: {  	_ =	shalt  }
0x69: {  	_ =	shalt  }
0x6a: {  	_ =	shalt  }
0x6b: {  	_ =	shalt  }
0x6c: {  	_ =	shalt  }
0x6d: {  	_ =	shalt  }
0x6e: {  	_ =	shalt  }
0x6f: {  	_ =	shalt  }
0x70: {  	_ =	shalt  }
0x71: {  	_ =	shalt  }
0x72: {  	_ =	shalt  }
0x73: {  	_ =	shalt  }
0x74: {  	_ =	shalt  }
0x75: {  	_ =	shalt  }
0x76: {  	_ =	shalt  }
0x77: {  	_ =	shalt  }
0x78: {  	_ =	shalt  }
0x79: {  	_ =	shalt  }
0x7a: {  	_ =	shalt  }
0x7b: {  	_ =	shalt  }
0x7c: {  	_ =	shalt  }
0x7d: {  	_ =	shalt  }
0x7e: {  	_ =	shalt  }
0x7f: {  	_ =	shalt  }
0x80: {  	_ =	shalt  }
0x81: {  	_ =	shalt  }
0x82: {  	_ =	shalt  }
0x83: {  	_ =	shalt  }
0x84: {  	_ =	shalt  }
0x85: {  	_ =	shalt  }
0x86: {  	_ =	shalt  }
0x87: {  	_ =	shalt  }
.Lfunc_end0:
.L_simem_size_0:
called_computation_lowered:
.L_overlay_start_0:
0x88: {  	s2 =	sld [smem:$0x3FD9]  }
0x89: {  	s3 =	sld [smem:$0x3FFE];
	_ =	sdelay $0x1  }
0x8a: {  	s1 =	srdreg.scid  }
0x8b: {  	s0 =	sand.u32 $0x1, s1  }
0x8c: {  	s18 =	sshll.u32 s0, $0xA;
	s2 =	sadd.s32 s3, s2  }
0x8d: {  	s2 =	sadd.s32 s2, s18  }
0x8e: {  	[smem:$0x3FC6] =	sst s2  }
0x8f: {  	_ = 	snop  }
0x90: {  	s2 =	sld [smem:$0x3FC9]  }
0x91: {  	s19 =	sld [smem:$0x3FC8]  }
0x92: {  	s4 =	sld [smem:$0x3FD0];
	(tm) =	ssettm $0x1  }
0x93: {  	s5 =	sld [smem:$0x3FFB];
	_ =	sdelay $0x3  }
0x94: {  	_ =	strace s5  }
0x95: {  	s5 =	sld [smem:$0x3FFC];
	_ =	sdelay $0x3  }
0x96: {  	_ =	strace s5  }
0x97: {  	s5 =	sld [smem:$0x3FFD];
	_ =	sdelay $0x3  }
0x98: {  	_ =	strace s5  }
0x99: {  	_ =	strace $0x8FFFFFFF  }
0x9a: {  	s20 =	sld [smem:$0x3FDB];
	_ =	sdelay $0x1  }
0x9b: {  	s6 =	simm.s32 $_scs_section_size  }
0x9c: {  	s7 =	simm.s32 $_size__tile_overlayer_lowered;
	s8 =	simm.s32 $_tile_overlayer_lowered  }
0x9d: {  	s23 =	simm.s32 $0x1BFF;
	s22 =	sshll.u32 s8, $0x1;
	s5 =	sadd.s32 s6, s20  }
0x9e: {  	s9 =	simm.s32 $0x0;
	s21 =	sshll.u32 s7, $0x1;
	s7 =	sadd.s32 s22, s5  }
0x9f: {  	[timem:s9], [sflag:s23] =	dma.local [hbm:s7], s21  }
0xa0: {  	_ =	swait.ge [sflag:s23], s21  }
0xa1: {  	s6 =	ssub.s32 $0x0, s21;
	[sflag:s23] =	ssyncset.done $0x0  }
0xa2: {  	[sflag:s23] =	ssyncadd.s32 s6;
	_ =	sdelay $0x1  }
0xa3: {  	s24 =	simm.s32 $0x1B8B  }
0xa4: {  	_ =	swait.ge [sflag:s24], $0x1  }
0xa5: {  	[sflag:s24] =	ssyncset.done $0x0  }
0xa6: {  	s25 =	simm.s32 $0x1B8E;
	[sflag:s24] =	ssyncadd.s32 $0xFFFFFFFF  }
0xa7: {  	s26 =	simm.s32 $execute0_lowered;
	[smem:$0x3FD2] =	sst s25  }
0xa8: {  	s6 =	sshll.u32 s26, $0x1;
	_ =	strace $0x80000046;
	[dreg:$0x1] =	wrdreg $0xFFFFFFFF  }
0xa9: {  	s28 =	simm.s32 $_size_execute0_lowered;
	s5 =	sadd.s32 s5, s6;
	[dreg:$0x0] =	wrdreg $0x0  }
0xaa: {  	s6 =	sshll.u32 s28, $0x1;
	[dreg:$0x2] =	wrdreg s5  }
0xab: {  	[dreg:$0x3] =	wrdreg s6  }
0xac: {  	[dreg:$0x4] =	wrdreg $0xC0  }
0xad: {  	_ =	task [dreg:s9], $0x5FFFF  }
0xae: {  	[dreg:$0x1] =	wrdreg $0xFFFFFFFF  }
0xaf: {  	[dreg:$0x0] =	wrdreg $0x60  }
0xb0: {  	[dreg:$0x2] =	wrdreg s2  }
0xb1: {  	[dreg:$0x3] =	wrdreg s19  }
0xb2: {  	[dreg:$0x4] =	wrdreg s4  }
0xb3: {  	[dreg:$0x5] =	wrdreg $0x9  }
0xb4: {  	_ =	task.clear_ibuf [dreg:s9], $0x6FFFF;
	_ =	strace $0x90000046  }
0xb5: {  	s29 =	simm.s32 $0x9;
	_ =	strace $0x80000048  }
0xb6: {  	_ =	swait.ge [sflag:s29], $0x1  }
0xb7: {  	[sflag:s29] =	ssyncadd.s32 $0xFFFFFFFF  }
0xb8: {  	_ =	strace $0x90000048  }
0xb9: {  	_ =	sfence  }
0xba: {  	s30 =	sld [smem:$0x0];
	_ =	sdelay $0x2  }
0xbb: {  	s31 =	sshll.u32 s1, $0xD;
	s1 =	sshrl.u32 s1, $0x2  }
0xbc: {  	s3 =	sand.u32 $0x4000, s31;
	s1 =	sadd.s32 s1, s30  }
0xbd: {  	s0 =	sor.u32 s3, s0;
	s1 =	sshll.u32 s1, $0x11  }
0xbe: {  	s0 =	sor.u32 s1, s0  }
0xbf: {  	s0 =	sadd.s32 $0x8F2B, s0  }
0xc0: {  	[sflag:s0] =	ssyncadd.remote.s32 $0x1  }
0xc1: {  	_ =	sfence.sel $0xFFFF  }
0xc2: {  	[dreg:$0x0] =	wrdreg $0xFFFFFFFF;
	(pc) =	sbr.abs _section_cstart, $3  }
0xc3: {  	[dreg:$0x1] =	wrdreg $0xFFFFFFFF  }
0xc4: {  	_ =	task.clear_ibuf [dreg:s9], $0x2FFFF;
	_ =	strace $0x9FFFFFFF  }
0xc5: {  	(tm) =	ssettm $0x7FFFFFFF  }
tec
execute0_lowered:
.L_overlay_start_1:
0x0: {  	(tag) =	ssettag $0x1  }
0x1: {  	s7 =	rddreg [dreg:$0x0]  }
0x2: {  	s9 =	rddreg [dreg:$0x1]  }
0x3: {  	s0 =	rddreg [dreg:$0x2]  }
0x4: {  	s1 =	srdreg.scid;
	s5 =	stileid.u32;
	s3 =	simm.s32 $0x0  }
0x5: {  	s11 =	simm.s32 $0x800;
	s12 =	simm.s32 $0x8000;
	s13 =	simm.s32 $0x80  }
0x6: {  	s14 =	simm.s32 $0x20000;
	s18 =	simm.s32 $0x1;
	s19 =	simm.s32 $0x10000  }
0x7: {  	s20 =	simm.s32 $0x10010;
	s21 =	simm.s32 $0x10020;
	s22 =	simm.s32 $0x10030  }
0x8: {  	s23 =	simm.s32 $0x3;
	s24 =	simm.s32 $0x100000;
	s28 =	simm.s32 $0xE580  }
0x9: {  	s29 =	simm.s32 $0x2;
	s30 =	simm.s32 $0xE000;
	s1 =	sand.u32 $0x1, s1  }
0xa: {  	s2 =	sshll.u32 s5, $0x1;
	[smem:$0x7FF] =	sst s3;
	s5 =	sshll.u32 s5, $0xD  }
0xb: {  	s2 =	sor.u32 s1, s2;
	_ =	strace $0x80000047;
	s1 =	ssub.s32 $0x2, s1  }
0xc: {  	s25 =	smul.u32 $0x60000, s2;
	s4 =	sshrl.u32 s1, $0x1;
	s6 =	sshll.u32 s2, $0x7  }
0xd: {  	s2 =	sshll.u32 s2, $0xC;
	s1 =	ssub.s32 s1, s4;
	s6 =	sor.u32 s5, s6  }
0xe: {  	s8 =	sadd.s32 s0, s2;
	s0 =	simm.s32 $0x5;
	s2 =	simm.s32 $0x0  }
0xf: {  	s26 =	sshrl.u32 s25, $0x3;
	s6 =	sand.u32 $0x18380, s6;
	s1 =	smax.u32 s1, $0x1  }
0x10: {  	v0 =	vimm.f32 $0.0e+00;
	v1 =	vlaneseq.u32;
	s5 =	sadd.s32 s7, s26;
	s7 =	sor.u32 $0x1000, s25;
	s31 =	sshrl.u32 s6, $0x3  }
0x11: {  	v3 =	vimm.s32 $0x0;
	v4 =	vimm.f32 $1.000000000e+00;
	v2 =	vor.u32 $0x100, v1;
	[dreg:$0x4] =	wrdreg s1;
	s26 =	simm.s32 $0xE180;
	s10 =	sadd.s32 s9, s31  }
.LBB2_1:
0x12: {  	[tilespmem:$0x10000] =	vst v0  }
0x13: {  	[tilespmem:$0x10010] =	vst v0  }
0x14: {  	[tilespmem:$0x10020] =	vst v0  }
0x15: {  	[tilespmem:$0x10030] =	vst v0  }
0x16: {  	[tilespmem:$0x10040] =	vst v0  }
0x17: {  	[tilespmem:$0x10050] =	vst v0  }
0x18: {  	[tilespmem:$0x10060] =	vst v0  }
0x19: {  	[tilespmem:$0x10070] =	vst v0  }
0x1a: {  	[tilespmem:$0x10080] =	vst v0  }
0x1b: {  	[tilespmem:$0x10090] =	vst v0  }
0x1c: {  	[tilespmem:$0x100A0] =	vst v0  }
0x1d: {  	[tilespmem:$0x100B0] =	vst v0  }
0x1e: {  	[tilespmem:$0x100C0] =	vst v0  }
0x1f: {  	[tilespmem:$0x100D0] =	vst v0  }
0x20: {  	[tilespmem:$0x100E0] =	vst v0  }
0x21: {  	[tilespmem:$0x100F0] =	vst v0  }
0x22: {  	[tilespmem:$0x10100] =	vst v0  }
0x23: {  	[tilespmem:$0x10110] =	vst v0  }
0x24: {  	[tilespmem:$0x10120] =	vst v0  }
0x25: {  	[tilespmem:$0x10130] =	vst v0  }
0x26: {  	[tilespmem:$0x10140] =	vst v0  }
0x27: {  	[tilespmem:$0x10150] =	vst v0  }
0x28: {  	[tilespmem:$0x10160] =	vst v0  }
0x29: {  	[tilespmem:$0x10170] =	vst v0  }
0x2a: {  	[tilespmem:$0x10180] =	vst v0  }
0x2b: {  	[tilespmem:$0x10190] =	vst v0  }
0x2c: {  	[tilespmem:$0x101A0] =	vst v0  }
0x2d: {  	[tilespmem:$0x101B0] =	vst v0  }
0x2e: {  	[tilespmem:$0x101C0] =	vst v0  }
0x2f: {  	[tilespmem:$0x101D0] =	vst v0  }
0x30: {  	[tilespmem:$0x101E0] =	vst v0  }
0x31: {  	[dreg:$0x5] =	wrdreg s2;
	[tilespmem:$0x101F0] =	vst v0;
	s1 =	simm.s32 $0x0;
	s4 =	simm.s32 $0x0  }
0x32: {  	[tilespmem:s1], [sflag:$0x1] =	stream.strided.gather [hbm4b:s5+s11], $0x6000, s12, s11, $0x38;
	[tilespmem:$0x10200] =	vst v63  }
.LBB2_2:
0x33: {  	p0 =	seq.s32 s4, $0x0  }
0x34: {  	s1 =	simm.s32 @!p0 $0x4  }
0x35: {  	_ =	swait.ge @!p0 [sflag:s1], $0x2000  }
0x36: {  	s31 =	sshll.u32 s4, $0xC;
	[sflag:s1] =	ssyncset.done @!p0 $0x0  }
0x37: {  	s2 =	sor.u32 s31, s6;
	[sflag:s1] =	ssyncadd.s32 @!p0 $0xFFFFE000  }
0x38: {  	s2 =	sshrl.u32 s2, $0x3;
	s1 =	rddreg [dreg:$0x1]  }
0x39: {  	s16 =	simm.s32 $0xC180;
	s1 =	sadd.s32 s1, s2;
	s2 =	sshll.u32 s4, $0x9  }
0x3a: {  	[tilespmem:s16], [sflag:$0x3] =	stream.strided.gather [hbm4b:s1+s13], $0x180, s14, s13, $0x38;
	[tilespmem:$0x10200] =	vst v63  }
0x3b: {  	s17 =	simm.s32 $0xC580;
	s1 =	sadd.s32 $0x80, s1;
	s9 =	sor.u32 $0x100, s2  }
0x3c: {  	[tilespmem:s17], [sflag:$0x3] =	stream.strided.gather [hbm4b:s1+s13], $0x180, s14, s13, $0x38;
	[tilespmem:$0x10200] =	vst v63  }
0x3d: {  	s3 =	simm.s32 $0x6000;
	s25 =	sadd.s32 s9, s5  }
0x3e: {  	[tilespmem:s3], [sflag:$0x2] =	stream.strided.gather [hbm4b:s25+s11], $0x6000, s12, s11, $0x38;
	[tilespmem:$0x10200] =	vst v63  }
0x3f: {  	_ =	swait.ge [sflag:s18], $0x6000  }
0x40: {  	[sflag:s18] =	ssyncset.done $0x0  }
0x41: {  	s1 =	simm.s32 $0x0;
	[sflag:s18] =	ssyncadd.s32 $0xFFFFA000  }
.LBB2_3:
0x42: {  	s3 =	sshll.u32 s1, $0x4  }
0x43: {  	s16 =	sand.u32 $0x70, s3  }
0x44: {  	v5 =	vmov s16  }
0x45: {  	s15 =	sshll.u32 s1, $0x7  }
0x46: {  	v6 =	vimm.f32 $0.0e+00;
	p0 =	por $0x1, $0x1;
	v7 =	vimm.f32 $0.0e+00;
	v8 =	vimm.f32 $0.0e+00;
	s25 =	simm.s32 $0x0;
	s17 =	sand.u32 $0x400, s15  }
.LBB2_4:
0x47: {  	s25 =	sshra.s32 s25, $0x2  }
0x48: {  	s25 =	sadd.s32 s17, s25  }
0x49: {  	v9 =	vld.idx.msk [tilespmem:v5+s25+$0x0 ss:$0x1], $0xffff  }
0x4a: {  	v10 =	vld.idx.msk [tilespmem:v5+s25+$0x2000 ss:$0x1], $0xffff  }
0x4b: {  	v11 =	vld.idx.msk [tilespmem:v5+s25+$0x4000 ss:$0x1], $0xffff  }
0x4c: {  	v14 =	vld.idx.msk [tilespmem:v5+s25+$0x80 ss:$0x1], $0xffff  }
0x4d: {  	v15 =	vld.idx.msk [tilespmem:v5+s25+$0x2080 ss:$0x1], $0xffff  }
0x4e: {  	v48 =	vld.idx.msk [tilespmem:v5+s25+$0x4080 ss:$0x1], $0xffff  }
0x4f: {  	v16 =	vld.idx.msk [tilespmem:v5+s25+$0x100 ss:$0x1], $0xffff  }
0x50: {  	v17 =	vld.idx.msk [tilespmem:v5+s25+$0x2100 ss:$0x1], $0xffff  }
0x51: {  	v18 =	vld.idx.msk [tilespmem:v5+s25+$0x4100 ss:$0x1], $0xffff  }
0x52: {  	v21 =	vld.idx.msk [tilespmem:v5+s25+$0x180 ss:$0x1], $0xffff  }
0x53: {  	v22 =	vld.idx.msk [tilespmem:v5+s25+$0x2180 ss:$0x1], $0xffff  }
0x54: {  	v53 =	vld.idx.msk [tilespmem:v5+s25+$0x4180 ss:$0x1], $0xffff  }
0x55: {  	v56 =	vld.idx.msk [tilespmem:v5+s25+$0x200 ss:$0x1], $0xffff  }
0x56: {  	v24 =	vld.idx.msk [tilespmem:v5+s25+$0x2200 ss:$0x1], $0xffff  }
0x57: {  	v25 =	vld.idx.msk [tilespmem:v5+s25+$0x4200 ss:$0x1], $0xffff  }
0x58: {  	v27 =	vld.idx.msk [tilespmem:v5+s25+$0x280 ss:$0x1], $0xffff  }
0x59: {  	v28 =	vld.idx.msk [tilespmem:v5+s25+$0x2280 ss:$0x1], $0xffff  }
0x5a: {  	v29 =	vld.idx.msk [tilespmem:v5+s25+$0x2300 ss:$0x1], $0xffff;
	vm0 =	vgt.f32 v9, $0.0e+00;
	vm1 =	vgt.f32 v10, $0.0e+00;
	vm6 =	vgt.f32 v11, $0.0e+00  }
0x5b: {  	v30 =	vld.idx.msk [tilespmem:v5+s25+$0x4300 ss:$0x1], $0xffff;
	vm7 =	vgt.f32 v14, $0.0e+00;
	vm8 =	vgt.f32 v15, $0.0e+00;
	vm9 =	vgt.f32 v48, $0.0e+00  }
0x5c: {  	v33 =	vld.idx.msk [tilespmem:v5+s25+$0x380 ss:$0x1], $0xffff;
	v12 =	vsel vm0, v2, v1;
	v13 =	vsel vm1, $0x80, v3;
	v47 =	vsel vm6, $0x40, v3  }
0x5d: {  	v34 =	vld.idx.msk [tilespmem:v5+s25+$0x2380 ss:$0x1], $0xffff;
	v19 =	vsel vm7, v2, v1;
	v20 =	vsel vm8, $0x80, v3;
	v12 =	vor.u32 v12, v13  }
0x5e: {  	v37 =	vld.idx.msk [tilespmem:v5+s25+$0x800 ss:$0x1], $0xffff;
	v49 =	vsel vm9, $0x40, v3;
	v19 =	vor.u32 v19, v20;
	v12 =	vor.u32 v47, v12  }
0x5f: {  	v38 =	vld.idx.msk [tilespmem:v5+s25+$0x4800 ss:$0x1], $0xffff;
	v19 =	vor.u32 v49, v19  }
0x60: {  	v44 =	vld.idx.msk [tilespmem:v5+s25+$0x880 ss:$0x1], $0xffff;
	vm7 =	vgt.f32 v27, $0.0e+00;
	vm8 =	vgt.f32 v28, $0.0e+00  }
0x61: {  	v46 =	vld.idx.msk [tilespmem:v5+s25+$0x2880 ss:$0x1], $0xffff;
	v31 =	vsel vm7, v2, v1;
	v32 =	vsel vm8, $0x80, v3  }
0x62: {  	v31 =	vor.u32 v31, v32;
	v32 =	vld.idx.msk [tilespmem:v5+s25+$0x4380 ss:$0x1], $0xffff  }
0x63: {  	[tilespmem:v12+s19+$0x0] =	vst.idx.add.f32.msk $0xffff, v9  }
0x64: {  	vm10 =	vgt.f32 v16, $0.0e+00;
	vm11 =	vgt.f32 v17, $0.0e+00;
	vm12 =	vgt.f32 v18, $0.0e+00;
	[tilespmem:v19+s19+$0x0] =	vst.idx.add.f32.msk $0xffff, v14  }
0x65: {  	vm13 =	vgt.f32 v21, $0.0e+00;
	vm14 =	vgt.f32 v22, $0.0e+00;
	vm15 =	vgt.f32 v53, $0.0e+00;
	[tilespmem:v12+s20+$0x0] =	vst.idx.add.f32.msk $0xffff, v10  }
0x66: {  	v50 =	vsel vm10, v2, v1;
	v51 =	vsel vm11, $0x80, v3;
	v52 =	vsel vm12, $0x40, v3;
	[tilespmem:v19+s20+$0x0] =	vst.idx.add.f32.msk $0xffff, v15  }
0x67: {  	v54 =	vsel vm13, v2, v1;
	v23 =	vsel vm14, $0x80, v3;
	v55 =	vsel vm15, $0x40, v3;
	[tilespmem:v12+s21+$0x0] =	vst.idx.add.f32.msk $0xffff, v11  }
0x68: {  	vm13 =	vgt.f32 v33, $0.0e+00;
	vm14 =	vgt.f32 v34, $0.0e+00;
	v9 =	vmul.f32 v9, v9;
	[tilespmem:v19+s21+$0x0] =	vst.idx.add.f32.msk $0xffff, v48  }
0x69: {  	v63 =	vsel vm13, v2, v1;
	vm15 =	vgt.f32 v32, $0.0e+00;
	v10 =	vmul.f32 v10, v10;
	[tilespmem:v12+s22+$0x0] =	vst.idx.add.f32.msk $0xffff, v4  }
0x6a: {  	v35 =	vsel vm15, $0x40, v3;
	v8 =	vadd.f32 v9, v8;
	v9 =	vsel vm14, $0x80, v3;
	[tilespmem:v19+s22+$0x0] =	vst.idx.add.f32.msk $0xffff, v4  }
0x6b: {  	v11 =	vmul.f32 v11, v11;
	v12 =	vor.u32 v50, v51;
	v19 =	vor.u32 v54, v23;
	v51 =	vld.idx.msk [tilespmem:v5+s25+$0x900 ss:$0x1], $0xffff  }
0x6c: {  	v9 =	vor.u32 v63, v9;
	v7 =	vadd.f32 v10, v7;
	v63 =	vld.idx.msk [tilespmem:v5+s25+$0x2980 ss:$0x1], $0xffff;
	v12 =	vor.u32 v52, v12  }
0x6d: {  	v10 =	vmul.f32 v14, v14;
	v19 =	vor.u32 v55, v19;
	v6 =	vadd.f32 v11, v6;
	v11 =	vld.idx.msk [tilespmem:v5+s25+$0x2800 ss:$0x1], $0xffff  }
0x6e: {  	v36 =	vmul.f32 v15, v15;
	v9 =	vor.u32 v35, v9;
	v52 =	vld.idx.msk [tilespmem:v5+s25+$0x2900 ss:$0x1], $0xffff  }
0x6f: {  	v8 =	vadd.f32 v10, v8;
	v10 =	vmul.f32 v48, v48;
	v48 =	vld.idx.msk [tilespmem:v5+s25+$0x4880 ss:$0x1], $0xffff  }
0x70: {  	v39 =	vmul.f32 v16, v16;
	v7 =	vadd.f32 v36, v7;
	v36 =	vld.idx.msk [tilespmem:v5+s25+$0xA00 ss:$0x1], $0xffff  }
0x71: {  	v40 =	vmul.f32 v17, v17;
	[tilespmem:v12+s19+$0x0] =	vst.idx.add.f32.msk $0xffff, v16  }
0x72: {  	v42 =	vmul.f32 v21, v21;
	v8 =	vadd.f32 v39, v8;
	[tilespmem:v19+s19+$0x0] =	vst.idx.add.f32.msk $0xffff, v21  }
0x73: {  	v47 =	vmul.f32 v22, v22;
	v7 =	vadd.f32 v40, v7;
	[tilespmem:v9+s19+$0x0] =	vst.idx.add.f32.msk $0xffff, v33  }
0x74: {  	v8 =	vadd.f32 v42, v8;
	v42 =	vld.idx.msk [tilespmem:v5+s25+$0xA80 ss:$0x1], $0xffff  }
0x75: {  	v7 =	vadd.f32 v47, v7;
	v47 =	vld.idx.msk [tilespmem:v5+s25+$0xB00 ss:$0x1], $0xffff  }
0x76: {  	[tilespmem:v12+s20+$0x0] =	vst.idx.add.f32.msk $0xffff, v17  }
0x77: {  	[tilespmem:v19+s20+$0x0] =	vst.idx.add.f32.msk $0xffff, v22  }
0x78: {  	vm4 =	vgt.f32 v56, $0.0e+00;
	[tilespmem:v9+s20+$0x0] =	vst.idx.add.f32.msk $0xffff, v34  }
0x79: {  	vm5 =	vgt.f32 v24, $0.0e+00;
	v57 =	vsel vm4, v2, v1;
	[tilespmem:v12+s21+$0x0] =	vst.idx.add.f32.msk $0xffff, v18  }
0x7a: {  	vm4 =	vgt.f32 v37, $0.0e+00;
	v6 =	vadd.f32 v10, v6;
	v10 =	vmul.f32 v18, v18;
	[tilespmem:v19+s21+$0x0] =	vst.idx.add.f32.msk $0xffff, v53  }
0x7b: {  	v26 =	vsel vm5, $0x80, v3;
	v41 =	vsel vm4, v2, v1;
	vm5 =	vgt.f32 v11, $0.0e+00;
	[tilespmem:v9+s21+$0x0] =	vst.idx.add.f32.msk $0xffff, v32  }
0x7c: {  	v49 =	vmul.f32 v53, v53;
	v6 =	vadd.f32 v10, v6;
	v43 =	vsel vm5, $0x80, v3;
	v53 =	vld.idx.msk [tilespmem:v5+s25+$0x4900 ss:$0x1], $0xffff  }
0x7d: {  	vm6 =	vgt.f32 v25, $0.0e+00;
	v10 =	vor.u32 v41, v43;
	v43 =	vld.idx.msk [tilespmem:v5+s25+$0x2A80 ss:$0x1], $0xffff  }
0x7e: {  	v58 =	vsel vm6, $0x40, v3;
	vm6 =	vgt.f32 v38, $0.0e+00;
	v6 =	vadd.f32 v49, v6;
	v49 =	vld.idx.msk [tilespmem:v5+s25+$0x4B00 ss:$0x1], $0xffff  }
0x7f: {  	v45 =	vsel vm6, $0x40, v3;
	[tilespmem:v12+s22+$0x0] =	vst.idx.add.f32.msk $0xffff, v4  }
0x80: {  	v12 =	vor.u32 v57, v26;
	v26 =	vld.idx.msk [tilespmem:v5+s25+$0x4280 ss:$0x1], $0xffff;
	v10 =	vor.u32 v45, v10  }
0x81: {  	[tilespmem:v19+s22+$0x0] =	vst.idx.add.f32.msk $0xffff, v4  }
0x82: {  	v54 =	vmul.f32 v25, v25;
	v19 =	vld.idx.msk [tilespmem:v5+s25+$0x300 ss:$0x1], $0xffff;
	v12 =	vor.u32 v58, v12  }
0x83: {  	[tilespmem:v9+s22+$0x0] =	vst.idx.add.f32.msk $0xffff, v4  }
0x84: {  	v6 =	vadd.f32 v54, v6;
	v54 =	vld.idx.msk [tilespmem:v5+s25+$0x2B80 ss:$0x1], $0xffff  }
0x85: {  	[tilespmem:v10+s19+$0x0] =	vst.idx.add.f32.msk $0xffff, v37  }
0x86: {  	v15 =	vmul.f32 v37, v37;
	v37 =	vld.idx.msk [tilespmem:v5+s25+$0x2A00 ss:$0x1], $0xffff  }
0x87: {  	[tilespmem:v12+s19+$0x0] =	vst.idx.add.f32.msk $0xffff, v56  }
0x88: {  	vm11 =	vgt.f32 v29, $0.0e+00;
	vm9 =	vgt.f32 v26, $0.0e+00;
	[tilespmem:v10+s20+$0x0] =	vst.idx.add.f32.msk $0xffff, v11  }
0x89: {  	vm8 =	vgt.f32 v46, $0.0e+00;
	v9 =	vmul.f32 v24, v24;
	v59 =	vsel vm9, $0x40, v3;
	[tilespmem:v12+s20+$0x0] =	vst.idx.add.f32.msk $0xffff, v24  }
0x8a: {  	vm7 =	vgt.f32 v44, $0.0e+00;
	v55 =	vsel vm8, $0x80, v3;
	v31 =	vor.u32 v59, v31;
	[tilespmem:v10+s21+$0x0] =	vst.idx.add.f32.msk $0xffff, v38  }
0x8b: {  	v7 =	vadd.f32 v9, v7;
	v9 =	vsel vm7, v2, v1;
	vm9 =	vgt.f32 v48, $0.0e+00;
	[tilespmem:v12+s21+$0x0] =	vst.idx.add.f32.msk $0xffff, v25  }
0x8c: {  	v9 =	vor.u32 v9, v55;
	vm10 =	vgt.f32 v19, $0.0e+00;
	v57 =	vsel vm9, $0x40, v3;
	[tilespmem:v10+s22+$0x0] =	vst.idx.add.f32.msk $0xffff, v4  }
0x8d: {  	v61 =	vsel vm11, $0x80, v3;
	v60 =	vsel vm10, v2, v1;
	v9 =	vor.u32 v57, v9;
	[tilespmem:v12+s22+$0x0] =	vst.idx.add.f32.msk $0xffff, v4  }
0x8e: {  	v12 =	vor.u32 v60, v61;
	v60 =	vld.idx.msk [tilespmem:v5+s25+$0x980 ss:$0x1], $0xffff  }
0x8f: {  	vm12 =	vgt.f32 v30, $0.0e+00;
	v50 =	vmul.f32 v56, v56;
	[tilespmem:v31+s19+$0x0] =	vst.idx.add.f32.msk $0xffff, v27  }
0x90: {  	v62 =	vsel vm12, $0x40, v3;
	v35 =	vmul.f32 v32, v32;
	v56 =	vmul.f32 v27, v27;
	v27 =	vld.idx.msk [tilespmem:v5+s25+$0x4980 ss:$0x1], $0xffff  }
0x91: {  	v39 =	vmul.f32 v44, v44;
	v12 =	vor.u32 v62, v12;
	[tilespmem:v31+s20+$0x0] =	vst.idx.add.f32.msk $0xffff, v28  }
0x92: {  	v40 =	vmul.f32 v51, v51;
	vm11 =	vgt.f32 v52, $0.0e+00;
	vm10 =	vgt.f32 v51, $0.0e+00;
	[tilespmem:v9+s19+$0x0] =	vst.idx.add.f32.msk $0xffff, v44  }
0x93: {  	vm12 =	vgt.f32 v53, $0.0e+00;
	v59 =	vsel vm11, $0x80, v3;
	v10 =	vsel vm10, v2, v1;
	[tilespmem:v31+s21+$0x0] =	vst.idx.add.f32.msk $0xffff, v26  }
0x94: {  	v58 =	vmul.f32 v28, v28;
	v10 =	vor.u32 v10, v59;
	v62 =	vsel vm12, $0x40, v3;
	[tilespmem:v9+s20+$0x0] =	vst.idx.add.f32.msk $0xffff, v46  }
0x95: {  	v16 =	vmul.f32 v46, v46;
	v10 =	vor.u32 v62, v10;
	[tilespmem:v31+s22+$0x0] =	vst.idx.add.f32.msk $0xffff, v4  }
0x96: {  	vm14 =	vgt.f32 v63, $0.0e+00;
	v8 =	vadd.f32 v50, v8;
	v7 =	vadd.f32 v58, v7;
	[tilespmem:v12+s19+$0x0] =	vst.idx.add.f32.msk $0xffff, v19  }
0x97: {  	vm4 =	vgt.f32 v36, $0.0e+00;
	v61 =	vmul.f32 v26, v26;
	v28 =	vmul.f32 v29, v29;
	[tilespmem:v9+s21+$0x0] =	vst.idx.add.f32.msk $0xffff, v48  }
0x98: {  	vm7 =	vgt.f32 v42, $0.0e+00;
	v11 =	vmul.f32 v11, v11;
	v8 =	vadd.f32 v56, v8;
	[tilespmem:v12+s20+$0x0] =	vst.idx.add.f32.msk $0xffff, v29  }
0x99: {  	v6 =	vadd.f32 v61, v6;
	vm13 =	vgt.f32 v60, $0.0e+00;
	v7 =	vadd.f32 v28, v7;
	[tilespmem:v9+s22+$0x0] =	vst.idx.add.f32.msk $0xffff, v4  }
0x9a: {  	v31 =	vsel vm14, $0x80, v3;
	v29 =	vmul.f32 v30, v30;
	v9 =	vsel vm13, v2, v1;
	[tilespmem:v10+s19+$0x0] =	vst.idx.add.f32.msk $0xffff, v51  }
0x9b: {  	[tilespmem:v12+s21+$0x0] =	vst.idx.add.f32.msk $0xffff, v30;
	v30 =	vmul.f32 v33, v33;
	vm15 =	vgt.f32 v27, $0.0e+00;
	v33 =	vmul.f32 v34, v34  }
0x9c: {  	v19 =	vmul.f32 v19, v19;
	v9 =	vor.u32 v9, v31;
	[tilespmem:v10+s20+$0x0] =	vst.idx.add.f32.msk $0xffff, v52;
	v34 =	vsel vm15, $0x40, v3  }
0x9d: {  	v56 =	vld.idx.msk [tilespmem:v5+s25+$0x4B80 ss:$0x1], $0xffff;
	v6 =	vadd.f32 v29, v6;
	v9 =	vor.u32 v34, v9;
	v7 =	vadd.f32 v33, v7  }
0x9e: {  	v45 =	vmul.f32 v53, v53;
	vm10 =	vgt.f32 v47, $0.0e+00;
	v8 =	vadd.f32 v19, v8;
	[tilespmem:v10+s21+$0x0] =	vst.idx.add.f32.msk $0xffff, v53  }
0x9f: {  	v6 =	vadd.f32 v35, v6;
	v7 =	vadd.f32 v11, v7;
	v11 =	vmul.f32 v38, v38;
	v38 =	vld.idx.msk [tilespmem:v5+s25+$0x4A00 ss:$0x1], $0xffff  }
0xa0: {  	vm8 =	vgt.f32 v43, $0.0e+00;
	v55 =	vsel vm10, v2, v1;
	v53 =	vld.idx.msk [tilespmem:v5+s25+$0xB80 ss:$0x1], $0xffff;
	v8 =	vadd.f32 v30, v8  }
0xa1: {  	vm5 =	vgt.f32 v37, $0.0e+00;
	[tilespmem:v10+s22+$0x0] =	vst.idx.add.f32.msk $0xffff, v4;
	v10 =	vmul.f32 v48, v48;
	v6 =	vadd.f32 v11, v6  }
0xa2: {  	v41 =	vsel vm5, $0x80, v3;
	vm14 =	vgt.f32 v54, $0.0e+00;
	v8 =	vadd.f32 v15, v8;
	[tilespmem:v9+s19+$0x0] =	vst.idx.add.f32.msk $0xffff, v60  }
0xa3: {  	v50 =	vmul.f32 v27, v27;
	vm15 =	vgt.f32 v56, $0.0e+00;
	[tilespmem:v9+s20+$0x0] =	vst.idx.add.f32.msk $0xffff, v63;
	v6 =	vadd.f32 v10, v6  }
0xa4: {  	v8 =	vadd.f32 v39, v8;
	v11 =	vsel vm4, v2, v1;
	[tilespmem:v9+s21+$0x0] =	vst.idx.add.f32.msk $0xffff, v27;
	vm6 =	vgt.f32 v38, $0.0e+00  }
0xa5: {  	v10 =	vor.u32 v11, v41;
	v11 =	vsel vm6, $0x40, v3;
	[tilespmem:v9+s22+$0x0] =	vst.idx.add.f32.msk $0xffff, v4;
	v6 =	vadd.f32 v45, v6  }
0xa6: {  	v8 =	vadd.f32 v40, v8;
	v9 =	vmul.f32 v60, v60;
	v10 =	vor.u32 v11, v10;
	v11 =	vld.idx.msk [tilespmem:v5+s25+$0x4A80 ss:$0x1], $0xffff  }
0xa7: {  	vm13 =	vgt.f32 v53, $0.0e+00;
	v13 =	vmul.f32 v38, v38;
	v6 =	vadd.f32 v50, v6  }
0xa8: {  	v59 =	vsel vm13, v2, v1;
	v60 =	vsel vm14, $0x80, v3;
	v8 =	vadd.f32 v9, v8;
	v9 =	vld.idx.msk [tilespmem:v5+s25+$0x2B00 ss:$0x1], $0xffff  }
0xa9: {  	v61 =	vsel vm15, $0x40, v3;
	v6 =	vadd.f32 v13, v6;
	v13 =	vor.u32 v59, v60  }
0xaa: {  	vm12 =	vgt.f32 v49, $0.0e+00;
	v44 =	vmul.f32 v52, v52;
	[tilespmem:v12+s22+$0x0] =	vst.idx.add.f32.msk $0xffff, v4;
	v62 =	vor.u32 v61, v13  }
0xab: {  	v51 =	vsel vm8, $0x80, v3;
	v48 =	vsel vm7, v2, v1;
	[tilespmem:v10+s19+$0x0] =	vst.idx.add.f32.msk $0xffff, v36;
	vm9 =	vgt.f32 v11, $0.0e+00  }
0xac: {  	v12 =	vor.u32 v48, v51;
	v7 =	vadd.f32 v16, v7;
	v52 =	vsel vm9, $0x40, v3;
	[tilespmem:v10+s20+$0x0] =	vst.idx.add.f32.msk $0xffff, v37  }
0xad: {  	v19 =	vmul.f32 v36, v36;
	vm11 =	vgt.f32 v9, $0.0e+00;
	v12 =	vor.u32 v52, v12;
	[tilespmem:v10+s21+$0x0] =	vst.idx.add.f32.msk $0xffff, v38  }
0xae: {  	v46 =	vmul.f32 v63, v63;
	v7 =	vadd.f32 v44, v7;
	v57 =	vsel vm11, $0x80, v3;
	[tilespmem:v10+s22+$0x0] =	vst.idx.add.f32.msk $0xffff, v4  }
0xaf: {  	v58 =	vsel vm12, $0x40, v3;
	v8 =	vadd.f32 v19, v8;
	v19 =	vor.u32 v55, v57;
	[tilespmem:v62+s19+$0x0] =	vst.idx.add.f32.msk $0xffff, v53  }
0xb0: {  	v10 =	vor.u32 v58, v19;
	[tilespmem:v62+s20+$0x0] =	vst.idx.add.f32.msk $0xffff, v54  }
0xb1: {  	v22 =	vmul.f32 v37, v37;
	v7 =	vadd.f32 v46, v7;
	[tilespmem:v62+s21+$0x0] =	vst.idx.add.f32.msk $0xffff, v56  }
0xb2: {  	v15 =	vmul.f32 v42, v42;
	[tilespmem:v12+s19+$0x0] =	vst.idx.add.f32.msk $0xffff, v42  }
0xb3: {  	v14 =	vmul.f32 v43, v43;
	v7 =	vadd.f32 v22, v7;
	[tilespmem:v12+s20+$0x0] =	vst.idx.add.f32.msk $0xffff, v43  }
0xb4: {  	v63 =	vmul.f32 v47, v47;
	v8 =	vadd.f32 v15, v8;
	[tilespmem:v12+s21+$0x0] =	vst.idx.add.f32.msk $0xffff, v11  }
0xb5: {  	v7 =	vadd.f32 v14, v7;
	v11 =	vmul.f32 v11, v11;
	[tilespmem:v10+s19+$0x0] =	vst.idx.add.f32.msk $0xffff, v47  }
0xb6: {  	p1 =	por p0, p0;
	v8 =	vadd.f32 v63, v8;
	[tilespmem:v10+s20+$0x0] =	vst.idx.add.f32.msk $0xffff, v9;
	v9 =	vmul.f32 v9, v9  }
.Ltmp0:
0xb7: {  	v6 =	vadd.f32 v11, v6;
	[tilespmem:v10+s21+$0x0] =	vst.idx.add.f32.msk $0xffff, v49;
	v11 =	vmul.f32 v49, v49;
	(pc) =	sbr.rel @p1 .LBB2_4-.Ltmp0, $4  }
0xb8: {  	[tilespmem:v10+s22+$0x0] =	vst.idx.add.f32.msk $0xffff, v4;
	v7 =	vadd.f32 v9, v7;
	v9 =	vmul.f32 v53, v53  }
0xb9: {  	v10 =	vmul.f32 v54, v54;
	v6 =	vadd.f32 v11, v6;
	v11 =	vmul.f32 v56, v56  }
0xba: {  	[tilespmem:v62+s22+$0x0] =	vst.idx.add.f32.msk $0xffff, v4;
	v8 =	vadd.f32 v9, v8  }
0xbb: {  	p0 =	por $0x0, $0x0;
	s25 =	simm.s32 $0x4000;
	[tilespmem:v12+s22+$0x0] =	vst.idx.add.f32.msk $0xffff, v4;
	v7 =	vadd.f32 v10, v7;
	v6 =	vadd.f32 v11, v6  }
0xbc: {  	v5 =	vld [tilespmem:$0x10030];
	_ =	sdelay $0x3  }
0xbd: {  	v9 =	vld [tilespmem:$0x10000]  }
0xbe: {  	v10 =	vld [tilespmem:$0x10010];
	v5 =	vmax.f32 v5, $1.000000000e+00  }
0xbf: {  	(erf) = vrcp.f32 v5;
	v5 =	vld [tilespmem:$0x10070]  }
0xc0: {  	v11 =	vld [tilespmem:$0x10020]  }
0xc1: {  	v13 =	vld [tilespmem:$0x10040]  }
0xc2: {  	[tilespmem:$0x10000] =	vst v0;
	v15 =	vld [tilespmem:$0x10050]  }
0xc3: {  	[tilespmem:$0x10010] =	vst v0;
	v17 =	vld [tilespmem:$0x10060]  }
0xc4: {  	[tilespmem:$0x10020] =	vst v0;
	v52 =	vld [tilespmem:$0x10080];
	v5 =	vmax.f32 v5, $1.000000000e+00  }
0xc5: {  	[tilespmem:$0x10030] =	vst v0;
	(erf) = vrcp.f32 v5;
	v5 =	vld [tilespmem:$0x100B0]  }
0xc6: {  	v53 =	vld [tilespmem:$0x10090];
	[tilespmem:$0x10040] =	vst v0  }
0xc7: {  	v54 =	vld [tilespmem:$0x100F0];
	[tilespmem:$0x10050] =	vst v0  }
0xc8: {  	v19 =	vld [tilespmem:$0x100C0];
	[tilespmem:$0x10060] =	vst v0  }
0xc9: {  	v21 =	vld [tilespmem:$0x100D0];
	[tilespmem:$0x10080] =	vst v0  }
0xca: {  	v23 =	vld [tilespmem:$0x100E0];
	[tilespmem:$0x10090] =	vst v0;
	v5 =	vmax.f32 v5, $1.000000000e+00  }
0xcb: {  	v55 =	vld [tilespmem:$0x10130];
	[tilespmem:$0x100C0] =	vst v0;
	(erf) = vrcp.f32 v5  }
0xcc: {  	v56 =	vld [tilespmem:$0x10100];
	[tilespmem:$0x100D0] =	vst v0;
	v12 =	vpop (erf)  }
0xcd: {  	v57 =	vld [tilespmem:$0x10110];
	[tilespmem:$0x100E0] =	vst v0;
	v14 =	vmul.f32 v12, v9  }
0xce: {  	v58 =	vld [tilespmem:$0x10170];
	[tilespmem:$0x100F0] =	vst v0;
	v16 =	vmul.f32 v12, v10;
	v9 =	vadd.f32 $0.0e+00, v9;
	v10 =	vadd.f32 $0.0e+00, v10  }
0xcf: {  	v60 =	vld [tilespmem:$0x10120];
	[tilespmem:$0x10100] =	vst v0  }
0xd0: {  	[tilespmem:$0x10110] =	vst v0;
	v5 =	vld [tilespmem:$0x100A0];
	v9 =	vadd.f32 v13, v9;
	v10 =	vadd.f32 v15, v10  }
0xd1: {  	s16 =	sadd.s32 s16, s17;
	s3 =	sor.u32 s15, s3;
	v62 =	vld [tilespmem:$0x10140];
	[tilespmem:$0x10120] =	vst v0;
	v12 =	vmul.f32 v11, v12;
	v11 =	vadd.f32 $0.0e+00, v11  }
0xd2: {  	v63 =	vld [tilespmem:$0x10150];
	s3 =	sor.u32 $0x380, s3;
	[tilespmem:s16+$0xC300] =	vst v14;
	v9 =	vadd.f32 v52, v9;
	v10 =	vadd.f32 v53, v10  }
0xd3: {  	v28 =	vld [tilespmem:$0x10180];
	v11 =	vadd.f32 v17, v11;
	[tilespmem:s3+$0xC000] =	vst v16;
	v18 =	vpop (erf)  }
0xd4: {  	v30 =	vld [tilespmem:$0x10160];
	[tilespmem:s16+$0xC800] =	vst v12;
	v12 =	vmax.f32 v54, $1.000000000e+00;
	v9 =	vadd.f32 v19, v9;
	v10 =	vadd.f32 v21, v10;
	v59 =	vpop (erf)  }
0xd5: {  	v32 =	vld [tilespmem:$0x10190];
	[tilespmem:$0x10130] =	vst v0;
	(erf) = vrcp.f32 v12;
	v27 =	vmul.f32 v5, v59;
	v5 =	vadd.f32 v5, v11  }
0xd6: {  	v31 =	vld [tilespmem:$0x101C0];
	[tilespmem:$0x10140] =	vst v0;
	v9 =	vadd.f32 v56, v9;
	v10 =	vadd.f32 v57, v10  }
0xd7: {  	v25 =	vld [tilespmem:$0x101D0];
	[tilespmem:$0x10150] =	vst v0;
	v61 =	vmax.f32 v55, $1.000000000e+00;
	v5 =	vadd.f32 v23, v5  }
0xd8: {  	v34 =	vld [tilespmem:$0x101A0];
	[tilespmem:$0x10160] =	vst v0;
	(erf) = vrcp.f32 v61;
	v9 =	vadd.f32 v62, v9;
	v10 =	vadd.f32 v63, v10  }
0xd9: {  	v8 =	vmul.f32 $3.225806360e-02, v8;
	[tilespmem:$0x10170] =	vst v0;
	v7 =	vmul.f32 $3.225806360e-02, v7;
	v5 =	vadd.f32 v60, v5  }
0xda: {  	v26 =	vld [tilespmem:$0x101E0];
	[tilespmem:$0x10180] =	vst v0;
	v6 =	vmul.f32 $3.225806360e-02, v6;
	v9 =	vadd.f32 v28, v9;
	v10 =	vadd.f32 v32, v10  }
0xdb: {  	[tilespmem:$0x10190] =	vst v0;
	v29 =	vmax.f32 v58, $1.000000000e+00;
	v20 =	vmul.f32 v18, v13;
	v5 =	vadd.f32 v30, v5  }
0xdc: {  	[tilespmem:$0x101A0] =	vst v0;
	v22 =	vmul.f32 v18, v15;
	v9 =	vadd.f32 v31, v9;
	v10 =	vadd.f32 v25, v10  }
0xdd: {  	v35 =	vld [tilespmem:$0x101B0];
	[tilespmem:$0x101B0] =	vst v0;
	v18 =	vmul.f32 v17, v18;
	(erf) = vrcp.f32 v29;
	v5 =	vadd.f32 v34, v5  }
0xde: {  	[tilespmem:$0x101C0] =	vst v0;
	v33 =	vpop (erf);
	v9 =	vmul.f32 v9, v9;
	v10 =	vmul.f32 v10, v10  }
0xdf: {  	[tilespmem:$0x101D0] =	vst v0;
	v14 =	vmul.f32 v59, v52;
	v19 =	vmul.f32 v33, v19;
	v5 =	vadd.f32 v26, v5  }
0xe0: {  	[tilespmem:$0x101E0] =	vst v0;
	v9 =	vmul.f32 $1.008064490e-03, v9;
	v39 =	vmul.f32 $1.008064490e-03, v10  }
0xe1: {  	v43 =	vld [tilespmem:$0x101F0];
	[tilespmem:$0x101F0] =	vst v0;
	v21 =	vmul.f32 v33, v21;
	v36 =	vpop (erf);
	v5 =	vmul.f32 v5, v5  }
0xe2: {  	[tilespmem:$0x10070] =	vst v0;
	v12 =	vmul.f32 v36, v57;
	v8 =	vsub.f32 v8, v9;
	v7 =	vsub.f32 v7, v39  }
0xe3: {  	[tilespmem:s16+$0xC980] =	vst v18;
	v18 =	vmul.f32 v60, v36;
	v5 =	vmul.f32 $1.008064490e-03, v5  }
0xe4: {  	[tilespmem:s16+$0xCB80] =	vst v19;
	v19 =	vmax.f32 v35, $1.000000000e+00;
	v8 =	vmax.f32 v8, $0.0e+00;
	v7 =	vmax.f32 v7, $0.0e+00  }
0xe5: {  	[tilespmem:$0x100B0] =	vst v0;
	v40 =	vmul.f32 $5.000000000e-01, v8;
	v41 =	vshrl.u32 v8, $0x1;
	v5 =	vsub.f32 v6, v5  }
0xe6: {  	(erf) = vrcp.f32 v19;
	[tilespmem:s16+$0xD180] =	vst v12;
	v45 =	vmul.f32 $5.000000000e-01, v7;
	v12 =	vsub.s32 $0x5F3759DF, v41  }
0xe7: {  	[tilespmem:$0x100A0] =	vst v0;
	v46 =	vshrl.u32 v7, $0x1;
	v44 =	vmul.f32 v12, v40;
	v5 =	vmax.f32 v5, $0.0e+00  }
0xe8: {  	[tilespmem:s16+$0xD200] =	vst v18;
	v18 =	vsub.s32 $0x5F3759DF, v46;
	v47 =	vmul.f32 $5.000000000e-01, v5;
	v48 =	vshrl.u32 v5, $0x1  }
0xe9: {  	[tilespmem:s16+$0xD000] =	vst v21;
	v38 =	vpop (erf);
	v49 =	vmul.f32 v18, v45;
	v13 =	vmul.f32 v12, v44;
	v21 =	vsub.s32 $0x5F3759DF, v48  }
0xea: {  	v50 =	vmax.f32 v43, $1.000000000e+00;
	[tilespmem:s16+$0xC880] =	vst v20;
	v6 =	vmul.f32 v30, v38;
	v51 =	vmul.f32 v21, v47  }
0xeb: {  	[tilespmem:s16+$0xC900] =	vst v22;
	(erf) = vrcp.f32 v50;
	v52 =	vmul.f32 v18, v49  }
0xec: {  	v24 =	vmul.f32 v59, v53;
	[tilespmem:s16+$0xD380] =	vst v6;
	v6 =	vsub.f32 $1.500000000e+00, v13;
	v53 =	vmul.f32 v21, v51  }
0xed: {  	[tilespmem:s16+$0xCA00] =	vst v14;
	v16 =	vmul.f32 v23, v33;
	v37 =	vmul.f32 v36, v56;
	v9 =	vsub.f32 $1.500000000e+00, v52  }
0xee: {  	[tilespmem:s16+$0xCA80] =	vst v24;
	v20 =	vmul.f32 v38, v62;
	v6 =	vmul.f32 v12, v6;
	v13 =	vsub.f32 $1.500000000e+00, v53  }
0xef: {  	[tilespmem:s16+$0xCB00] =	vst v27;
	v42 =	vmul.f32 v38, v63;
	v9 =	vmul.f32 v18, v9  }
0xf0: {  	[tilespmem:s16+$0xD080] =	vst v16;
	v54 =	vpop (erf);
	v10 =	vmul.f32 v6, v40;
	v57 =	vmul.f32 v21, v13  }
0xf1: {  	[tilespmem:s16+$0xD100] =	vst v37;
	v14 =	vmul.f32 v54, v32;
	v58 =	vmul.f32 v9, v45  }
0xf2: {  	[tilespmem:s16+$0xD280] =	vst v20;
	v10 =	vmul.f32 v10, v6;
	v59 =	vmul.f32 v57, v47  }
0xf3: {  	[tilespmem:s16+$0xD300] =	vst v42;
	v55 =	vmul.f32 v54, v28;
	v13 =	vmul.f32 v58, v9  }
0xf4: {  	v56 =	vmul.f32 v34, v54;
	v60 =	vpop (erf);
	[tilespmem:s16+$0xD880] =	vst v14;
	v10 =	vsub.f32 $1.500000000e+00, v10;
	v14 =	vmul.f32 v59, v57  }
0xf5: {  	v11 =	vmul.f32 v60, v31;
	[tilespmem:s16+$0xD800] =	vst v55;
	v13 =	vsub.f32 $1.500000000e+00, v13  }
0xf6: {  	s1 =	sadd.s32 $0x1, s1;
	v61 =	vmul.f32 v60, v25;
	[tilespmem:s16+$0xD900] =	vst v56;
	v6 =	vmul.f32 v10, v6;
	v14 =	vsub.f32 $1.500000000e+00, v14  }
0xf7: {  	p0 =	sne.s32 s1, $0x10;
	v62 =	vmul.f32 v26, v60;
	[tilespmem:s16+$0xD980] =	vst v11;
	v9 =	vmul.f32 v13, v9  }
.Ltmp1:
0xf8: {  	[tilespmem:s16+$0xDA00] =	vst v61;
	v6 =	vmul.f32 v6, v8;
	v63 =	vmul.f32 v14, v57;
	(pc) =	sbr.rel @p0 .LBB2_3-.Ltmp1, $4  }
0xf9: {  	[tilespmem:s16+$0xDA80] =	vst v62;
	v7 =	vmul.f32 v9, v7  }
0xfa: {  	[tilespmem:s16+$0xC000] =	vst v6;
	v5 =	vmul.f32 v63, v5  }
0xfb: {  	[tilespmem:s16+$0xC080] =	vst v7  }
0xfc: {  	[tilespmem:s16+$0xC100] =	vst v5  }
0xfd: {  	_ =	swait.ge [sflag:s23], $0x300  }
0xfe: {  	s1 =	sadd.s32 s2, s8;
	[sflag:s23] =	ssyncset.done $0x0  }
0xff: {  	s25 =	simm.s32 $0xC000;
	p0 =	seq.s32 s4, $0x7;
	[sflag:s23] =	ssyncadd.s32 $0xFFFFFD00  }
0x100: {  	[hbm4b:s1+s11] =	stream.strided.scatter [tilespmem:s25], [sflag:$0x4], $0x2000, s24, s11, $0x38;
	[tilespmem:$0x10200] =	vst v63  }
0x101: {  	p1 =	seq.s32 @!p0 s4, $0x0;
	s1 =	sadd.s32 @!p0 s7, s31  }
0x102: {  	s3 =	simm.s32 @!p0 $0x8000;
	s2 =	rddreg [dreg:$0x0];
	s1 =	sshrl.u32 @!p0 s1, $0x3  }
0x103: {  	s15 =	simm.s32 @!p0 $0x0;
	s1 =	sadd.s32 @!p0 s2, s1;
	s2 =	simm.s32 @!p0 $0x800  }
0x104: {  	[tilespmem:s15], [sflag:$0x1] =	stream.strided.gather @!p0 [hbm4b:s1+s2], $0x6000, s3, s2, $0x38;
	[tilespmem:$0x10200] =	vst v63  }
0x105: {  	p0 =	por p0, !p1  }
0x106: {  	_ =	swait.ge @p0 [sflag:s0], $0x2000  }
0x107: {  	[sflag:s0] =	ssyncset.done @p0 $0x0  }
0x108: {  	s31 =	sadd.s32 s10, s9;
	[sflag:s0] =	ssyncadd.s32 @p0 $0xFFFFE000  }
0x109: {  	[tilespmem:s26], [sflag:$0x3] =	stream.strided.gather [hbm4b:s31+s13], $0x180, s14, s13, $0x38;
	[tilespmem:$0x10200] =	vst v63  }
0x10a: {  	s1 =	sadd.s32 $0x80, s31  }
0x10b: {  	[tilespmem:s28], [sflag:$0x3] =	stream.strided.gather [hbm4b:s1+s13], $0x180, s14, s13, $0x38;
	[tilespmem:$0x10200] =	vst v63  }
0x10c: {  	_ =	swait.ge [sflag:s29], $0x6000  }
0x10d: {  	[sflag:s29] =	ssyncset.done $0x0  }
0x10e: {  	s4 =	sadd.s32 $0x1, s4;
	s1 =	simm.s32 $0x0;
	[sflag:s29] =	ssyncadd.s32 $0xFFFFA000  }
.LBB2_7:
0x10f: {  	s2 =	sshll.u32 s1, $0x4  }
0x110: {  	s15 =	sand.u32 $0x70, s2  }
0x111: {  	v5 =	vmov s15  }
0x112: {  	s3 =	sshll.u32 s1, $0x7  }
0x113: {  	v6 =	vimm.f32 $0.0e+00;
	p0 =	por $0x1, $0x1;
	v7 =	vimm.f32 $0.0e+00;
	v8 =	vimm.f32 $0.0e+00;
	s17 =	simm.s32 $0x0;
	s16 =	sand.u32 $0x400, s3  }
.LBB2_8:
0x114: {  	s17 =	sshra.s32 s17, $0x2  }
0x115: {  	s17 =	sadd.s32 s16, s17  }
0x116: {  	v9 =	vld.idx.msk [tilespmem:v5+s17+$0x6000 ss:$0x1], $0xffff  }
0x117: {  	v10 =	vld.idx.msk [tilespmem:v5+s17+$0x8000 ss:$0x1], $0xffff  }
0x118: {  	v11 =	vld.idx.msk [tilespmem:v5+s17+$0xA000 ss:$0x1], $0xffff  }
0x119: {  	v14 =	vld.idx.msk [tilespmem:v5+s17+$0x6080 ss:$0x1], $0xffff  }
0x11a: {  	v15 =	vld.idx.msk [tilespmem:v5+s17+$0x8080 ss:$0x1], $0xffff  }
0x11b: {  	v48 =	vld.idx.msk [tilespmem:v5+s17+$0xA080 ss:$0x1], $0xffff  }
0x11c: {  	v16 =	vld.idx.msk [tilespmem:v5+s17+$0x6100 ss:$0x1], $0xffff  }
0x11d: {  	v17 =	vld.idx.msk [tilespmem:v5+s17+$0x8100 ss:$0x1], $0xffff  }
0x11e: {  	v18 =	vld.idx.msk [tilespmem:v5+s17+$0xA100 ss:$0x1], $0xffff  }
0x11f: {  	v21 =	vld.idx.msk [tilespmem:v5+s17+$0x6180 ss:$0x1], $0xffff  }
0x120: {  	v22 =	vld.idx.msk [tilespmem:v5+s17+$0x8180 ss:$0x1], $0xffff  }
0x121: {  	v53 =	vld.idx.msk [tilespmem:v5+s17+$0xA180 ss:$0x1], $0xffff  }
0x122: {  	v56 =	vld.idx.msk [tilespmem:v5+s17+$0x6200 ss:$0x1], $0xffff  }
0x123: {  	v24 =	vld.idx.msk [tilespmem:v5+s17+$0x8200 ss:$0x1], $0xffff  }
0x124: {  	v25 =	vld.idx.msk [tilespmem:v5+s17+$0xA200 ss:$0x1], $0xffff  }
0x125: {  	v27 =	vld.idx.msk [tilespmem:v5+s17+$0x6280 ss:$0x1], $0xffff  }
0x126: {  	v28 =	vld.idx.msk [tilespmem:v5+s17+$0x8280 ss:$0x1], $0xffff  }
0x127: {  	v29 =	vld.idx.msk [tilespmem:v5+s17+$0x8300 ss:$0x1], $0xffff;
	vm0 =	vgt.f32 v9, $0.0e+00;
	vm1 =	vgt.f32 v10, $0.0e+00;
	vm6 =	vgt.f32 v11, $0.0e+00  }
0x128: {  	v30 =	vld.idx.msk [tilespmem:v5+s17+$0xA300 ss:$0x1], $0xffff;
	vm7 =	vgt.f32 v14, $0.0e+00;
	vm8 =	vgt.f32 v15, $0.0e+00;
	vm9 =	vgt.f32 v48, $0.0e+00  }
0x129: {  	v33 =	vld.idx.msk [tilespmem:v5+s17+$0x6380 ss:$0x1], $0xffff;
	v12 =	vsel vm0, v2, v1;
	v13 =	vsel vm1, $0x80, v3;
	v47 =	vsel vm6, $0x40, v3  }
0x12a: {  	v34 =	vld.idx.msk [tilespmem:v5+s17+$0x8380 ss:$0x1], $0xffff;
	v19 =	vsel vm7, v2, v1;
	v20 =	vsel vm8, $0x80, v3;
	v12 =	vor.u32 v12, v13  }
0x12b: {  	v37 =	vld.idx.msk [tilespmem:v5+s17+$0x6800 ss:$0x1], $0xffff;
	v49 =	vsel vm9, $0x40, v3;
	v19 =	vor.u32 v19, v20;
	v12 =	vor.u32 v47, v12  }
0x12c: {  	v38 =	vld.idx.msk [tilespmem:v5+s17+$0xA800 ss:$0x1], $0xffff;
	v19 =	vor.u32 v49, v19  }
0x12d: {  	v44 =	vld.idx.msk [tilespmem:v5+s17+$0x6880 ss:$0x1], $0xffff;
	vm7 =	vgt.f32 v27, $0.0e+00;
	vm8 =	vgt.f32 v28, $0.0e+00  }
0x12e: {  	v46 =	vld.idx.msk [tilespmem:v5+s17+$0x8880 ss:$0x1], $0xffff;
	v31 =	vsel vm7, v2, v1;
	v32 =	vsel vm8, $0x80, v3  }
0x12f: {  	v31 =	vor.u32 v31, v32;
	v32 =	vld.idx.msk [tilespmem:v5+s17+$0xA380 ss:$0x1], $0xffff  }
0x130: {  	[tilespmem:v12+s19+$0x0] =	vst.idx.add.f32.msk $0xffff, v9  }
0x131: {  	vm10 =	vgt.f32 v16, $0.0e+00;
	vm11 =	vgt.f32 v17, $0.0e+00;
	vm12 =	vgt.f32 v18, $0.0e+00;
	[tilespmem:v19+s19+$0x0] =	vst.idx.add.f32.msk $0xffff, v14  }
0x132: {  	vm13 =	vgt.f32 v21, $0.0e+00;
	vm14 =	vgt.f32 v22, $0.0e+00;
	vm15 =	vgt.f32 v53, $0.0e+00;
	[tilespmem:v12+s20+$0x0] =	vst.idx.add.f32.msk $0xffff, v10  }
0x133: {  	v50 =	vsel vm10, v2, v1;
	v51 =	vsel vm11, $0x80, v3;
	v52 =	vsel vm12, $0x40, v3;
	[tilespmem:v19+s20+$0x0] =	vst.idx.add.f32.msk $0xffff, v15  }
0x134: {  	v54 =	vsel vm13, v2, v1;
	v23 =	vsel vm14, $0x80, v3;
	v55 =	vsel vm15, $0x40, v3;
	[tilespmem:v12+s21+$0x0] =	vst.idx.add.f32.msk $0xffff, v11  }
0x135: {  	vm13 =	vgt.f32 v33, $0.0e+00;
	vm14 =	vgt.f32 v34, $0.0e+00;
	v9 =	vmul.f32 v9, v9;
	[tilespmem:v19+s21+$0x0] =	vst.idx.add.f32.msk $0xffff, v48  }
0x136: {  	v63 =	vsel vm13, v2, v1;
	vm15 =	vgt.f32 v32, $0.0e+00;
	v10 =	vmul.f32 v10, v10;
	[tilespmem:v12+s22+$0x0] =	vst.idx.add.f32.msk $0xffff, v4  }
0x137: {  	v35 =	vsel vm15, $0x40, v3;
	v8 =	vadd.f32 v9, v8;
	v9 =	vsel vm14, $0x80, v3;
	[tilespmem:v19+s22+$0x0] =	vst.idx.add.f32.msk $0xffff, v4  }
0x138: {  	v11 =	vmul.f32 v11, v11;
	v12 =	vor.u32 v50, v51;
	v19 =	vor.u32 v54, v23;
	v51 =	vld.idx.msk [tilespmem:v5+s17+$0x6900 ss:$0x1], $0xffff  }
0x139: {  	v9 =	vor.u32 v63, v9;
	v7 =	vadd.f32 v10, v7;
	v63 =	vld.idx.msk [tilespmem:v5+s17+$0x8980 ss:$0x1], $0xffff;
	v12 =	vor.u32 v52, v12  }
0x13a: {  	v10 =	vmul.f32 v14, v14;
	v19 =	vor.u32 v55, v19;
	v6 =	vadd.f32 v11, v6;
	v11 =	vld.idx.msk [tilespmem:v5+s17+$0x8800 ss:$0x1], $0xffff  }
0x13b: {  	v36 =	vmul.f32 v15, v15;
	v9 =	vor.u32 v35, v9;
	v52 =	vld.idx.msk [tilespmem:v5+s17+$0x8900 ss:$0x1], $0xffff  }
0x13c: {  	v8 =	vadd.f32 v10, v8;
	v10 =	vmul.f32 v48, v48;
	v48 =	vld.idx.msk [tilespmem:v5+s17+$0xA880 ss:$0x1], $0xffff  }
0x13d: {  	v39 =	vmul.f32 v16, v16;
	v7 =	vadd.f32 v36, v7;
	v36 =	vld.idx.msk [tilespmem:v5+s17+$0x6A00 ss:$0x1], $0xffff  }
0x13e: {  	v40 =	vmul.f32 v17, v17;
	[tilespmem:v12+s19+$0x0] =	vst.idx.add.f32.msk $0xffff, v16  }
0x13f: {  	v42 =	vmul.f32 v21, v21;
	v8 =	vadd.f32 v39, v8;
	[tilespmem:v19+s19+$0x0] =	vst.idx.add.f32.msk $0xffff, v21  }
0x140: {  	v47 =	vmul.f32 v22, v22;
	v7 =	vadd.f32 v40, v7;
	[tilespmem:v9+s19+$0x0] =	vst.idx.add.f32.msk $0xffff, v33  }
0x141: {  	v8 =	vadd.f32 v42, v8;
	v42 =	vld.idx.msk [tilespmem:v5+s17+$0x6A80 ss:$0x1], $0xffff  }
0x142: {  	v7 =	vadd.f32 v47, v7;
	v47 =	vld.idx.msk [tilespmem:v5+s17+$0x6B00 ss:$0x1], $0xffff  }
0x143: {  	[tilespmem:v12+s20+$0x0] =	vst.idx.add.f32.msk $0xffff, v17  }
0x144: {  	[tilespmem:v19+s20+$0x0] =	vst.idx.add.f32.msk $0xffff, v22  }
0x145: {  	vm4 =	vgt.f32 v56, $0.0e+00;
	[tilespmem:v9+s20+$0x0] =	vst.idx.add.f32.msk $0xffff, v34  }
0x146: {  	vm5 =	vgt.f32 v24, $0.0e+00;
	v57 =	vsel vm4, v2, v1;
	[tilespmem:v12+s21+$0x0] =	vst.idx.add.f32.msk $0xffff, v18  }
0x147: {  	vm4 =	vgt.f32 v37, $0.0e+00;
	v6 =	vadd.f32 v10, v6;
	v10 =	vmul.f32 v18, v18;
	[tilespmem:v19+s21+$0x0] =	vst.idx.add.f32.msk $0xffff, v53  }
0x148: {  	v26 =	vsel vm5, $0x80, v3;
	v41 =	vsel vm4, v2, v1;
	vm5 =	vgt.f32 v11, $0.0e+00;
	[tilespmem:v9+s21+$0x0] =	vst.idx.add.f32.msk $0xffff, v32  }
0x149: {  	v49 =	vmul.f32 v53, v53;
	v6 =	vadd.f32 v10, v6;
	v43 =	vsel vm5, $0x80, v3;
	v53 =	vld.idx.msk [tilespmem:v5+s17+$0xA900 ss:$0x1], $0xffff  }
0x14a: {  	vm6 =	vgt.f32 v25, $0.0e+00;
	v10 =	vor.u32 v41, v43;
	v43 =	vld.idx.msk [tilespmem:v5+s17+$0x8A80 ss:$0x1], $0xffff  }
0x14b: {  	v58 =	vsel vm6, $0x40, v3;
	vm6 =	vgt.f32 v38, $0.0e+00;
	v6 =	vadd.f32 v49, v6;
	v49 =	vld.idx.msk [tilespmem:v5+s17+$0xAB00 ss:$0x1], $0xffff  }
0x14c: {  	v45 =	vsel vm6, $0x40, v3;
	[tilespmem:v12+s22+$0x0] =	vst.idx.add.f32.msk $0xffff, v4  }
0x14d: {  	v12 =	vor.u32 v57, v26;
	v26 =	vld.idx.msk [tilespmem:v5+s17+$0xA280 ss:$0x1], $0xffff;
	v10 =	vor.u32 v45, v10  }
0x14e: {  	[tilespmem:v19+s22+$0x0] =	vst.idx.add.f32.msk $0xffff, v4  }
0x14f: {  	v54 =	vmul.f32 v25, v25;
	v19 =	vld.idx.msk [tilespmem:v5+s17+$0x6300 ss:$0x1], $0xffff;
	v12 =	vor.u32 v58, v12  }
0x150: {  	[tilespmem:v9+s22+$0x0] =	vst.idx.add.f32.msk $0xffff, v4  }
0x151: {  	v6 =	vadd.f32 v54, v6;
	v54 =	vld.idx.msk [tilespmem:v5+s17+$0x8B80 ss:$0x1], $0xffff  }
0x152: {  	[tilespmem:v10+s19+$0x0] =	vst.idx.add.f32.msk $0xffff, v37  }
0x153: {  	v15 =	vmul.f32 v37, v37;
	v37 =	vld.idx.msk [tilespmem:v5+s17+$0x8A00 ss:$0x1], $0xffff  }
0x154: {  	[tilespmem:v12+s19+$0x0] =	vst.idx.add.f32.msk $0xffff, v56  }
0x155: {  	vm11 =	vgt.f32 v29, $0.0e+00;
	vm9 =	vgt.f32 v26, $0.0e+00;
	[tilespmem:v10+s20+$0x0] =	vst.idx.add.f32.msk $0xffff, v11  }
0x156: {  	vm8 =	vgt.f32 v46, $0.0e+00;
	v9 =	vmul.f32 v24, v24;
	v59 =	vsel vm9, $0x40, v3;
	[tilespmem:v12+s20+$0x0] =	vst.idx.add.f32.msk $0xffff, v24  }
0x157: {  	vm7 =	vgt.f32 v44, $0.0e+00;
	v55 =	vsel vm8, $0x80, v3;
	v31 =	vor.u32 v59, v31;
	[tilespmem:v10+s21+$0x0] =	vst.idx.add.f32.msk $0xffff, v38  }
0x158: {  	v7 =	vadd.f32 v9, v7;
	v9 =	vsel vm7, v2, v1;
	vm9 =	vgt.f32 v48, $0.0e+00;
	[tilespmem:v12+s21+$0x0] =	vst.idx.add.f32.msk $0xffff, v25  }
0x159: {  	v9 =	vor.u32 v9, v55;
	vm10 =	vgt.f32 v19, $0.0e+00;
	v57 =	vsel vm9, $0x40, v3;
	[tilespmem:v10+s22+$0x0] =	vst.idx.add.f32.msk $0xffff, v4  }
0x15a: {  	v61 =	vsel vm11, $0x80, v3;
	v60 =	vsel vm10, v2, v1;
	v9 =	vor.u32 v57, v9;
	[tilespmem:v12+s22+$0x0] =	vst.idx.add.f32.msk $0xffff, v4  }
0x15b: {  	v12 =	vor.u32 v60, v61;
	v60 =	vld.idx.msk [tilespmem:v5+s17+$0x6980 ss:$0x1], $0xffff  }
0x15c: {  	vm12 =	vgt.f32 v30, $0.0e+00;
	v50 =	vmul.f32 v56, v56;
	[tilespmem:v31+s19+$0x0] =	vst.idx.add.f32.msk $0xffff, v27  }
0x15d: {  	v62 =	vsel vm12, $0x40, v3;
	v35 =	vmul.f32 v32, v32;
	v56 =	vmul.f32 v27, v27;
	v27 =	vld.idx.msk [tilespmem:v5+s17+$0xA980 ss:$0x1], $0xffff  }
0x15e: {  	v39 =	vmul.f32 v44, v44;
	v12 =	vor.u32 v62, v12;
	[tilespmem:v31+s20+$0x0] =	vst.idx.add.f32.msk $0xffff, v28  }
0x15f: {  	v40 =	vmul.f32 v51, v51;
	vm11 =	vgt.f32 v52, $0.0e+00;
	vm10 =	vgt.f32 v51, $0.0e+00;
	[tilespmem:v9+s19+$0x0] =	vst.idx.add.f32.msk $0xffff, v44  }
0x160: {  	vm12 =	vgt.f32 v53, $0.0e+00;
	v59 =	vsel vm11, $0x80, v3;
	v10 =	vsel vm10, v2, v1;
	[tilespmem:v31+s21+$0x0] =	vst.idx.add.f32.msk $0xffff, v26  }
0x161: {  	v58 =	vmul.f32 v28, v28;
	v10 =	vor.u32 v10, v59;
	v62 =	vsel vm12, $0x40, v3;
	[tilespmem:v9+s20+$0x0] =	vst.idx.add.f32.msk $0xffff, v46  }
0x162: {  	v16 =	vmul.f32 v46, v46;
	v10 =	vor.u32 v62, v10;
	[tilespmem:v31+s22+$0x0] =	vst.idx.add.f32.msk $0xffff, v4  }
0x163: {  	vm14 =	vgt.f32 v63, $0.0e+00;
	v8 =	vadd.f32 v50, v8;
	v7 =	vadd.f32 v58, v7;
	[tilespmem:v12+s19+$0x0] =	vst.idx.add.f32.msk $0xffff, v19  }
0x164: {  	vm4 =	vgt.f32 v36, $0.0e+00;
	v61 =	vmul.f32 v26, v26;
	v28 =	vmul.f32 v29, v29;
	[tilespmem:v9+s21+$0x0] =	vst.idx.add.f32.msk $0xffff, v48  }
0x165: {  	vm7 =	vgt.f32 v42, $0.0e+00;
	v11 =	vmul.f32 v11, v11;
	v8 =	vadd.f32 v56, v8;
	[tilespmem:v12+s20+$0x0] =	vst.idx.add.f32.msk $0xffff, v29  }
0x166: {  	v6 =	vadd.f32 v61, v6;
	vm13 =	vgt.f32 v60, $0.0e+00;
	v7 =	vadd.f32 v28, v7;
	[tilespmem:v9+s22+$0x0] =	vst.idx.add.f32.msk $0xffff, v4  }
0x167: {  	v31 =	vsel vm14, $0x80, v3;
	v29 =	vmul.f32 v30, v30;
	v9 =	vsel vm13, v2, v1;
	[tilespmem:v10+s19+$0x0] =	vst.idx.add.f32.msk $0xffff, v51  }
0x168: {  	[tilespmem:v12+s21+$0x0] =	vst.idx.add.f32.msk $0xffff, v30;
	v30 =	vmul.f32 v33, v33;
	vm15 =	vgt.f32 v27, $0.0e+00;
	v33 =	vmul.f32 v34, v34  }
0x169: {  	v19 =	vmul.f32 v19, v19;
	v9 =	vor.u32 v9, v31;
	[tilespmem:v10+s20+$0x0] =	vst.idx.add.f32.msk $0xffff, v52;
	v34 =	vsel vm15, $0x40, v3  }
0x16a: {  	v56 =	vld.idx.msk [tilespmem:v5+s17+$0xAB80 ss:$0x1], $0xffff;
	v6 =	vadd.f32 v29, v6;
	v9 =	vor.u32 v34, v9;
	v7 =	vadd.f32 v33, v7  }
0x16b: {  	v45 =	vmul.f32 v53, v53;
	vm10 =	vgt.f32 v47, $0.0e+00;
	v8 =	vadd.f32 v19, v8;
	[tilespmem:v10+s21+$0x0] =	vst.idx.add.f32.msk $0xffff, v53  }
0x16c: {  	v6 =	vadd.f32 v35, v6;
	v7 =	vadd.f32 v11, v7;
	v11 =	vmul.f32 v38, v38;
	v38 =	vld.idx.msk [tilespmem:v5+s17+$0xAA00 ss:$0x1], $0xffff  }
0x16d: {  	vm8 =	vgt.f32 v43, $0.0e+00;
	v55 =	vsel vm10, v2, v1;
	v53 =	vld.idx.msk [tilespmem:v5+s17+$0x6B80 ss:$0x1], $0xffff;
	v8 =	vadd.f32 v30, v8  }
0x16e: {  	vm5 =	vgt.f32 v37, $0.0e+00;
	[tilespmem:v10+s22+$0x0] =	vst.idx.add.f32.msk $0xffff, v4;
	v10 =	vmul.f32 v48, v48;
	v6 =	vadd.f32 v11, v6  }
0x16f: {  	v41 =	vsel vm5, $0x80, v3;
	vm14 =	vgt.f32 v54, $0.0e+00;
	v8 =	vadd.f32 v15, v8;
	[tilespmem:v9+s19+$0x0] =	vst.idx.add.f32.msk $0xffff, v60  }
0x170: {  	v50 =	vmul.f32 v27, v27;
	vm15 =	vgt.f32 v56, $0.0e+00;
	[tilespmem:v9+s20+$0x0] =	vst.idx.add.f32.msk $0xffff, v63;
	v6 =	vadd.f32 v10, v6  }
0x171: {  	v8 =	vadd.f32 v39, v8;
	v11 =	vsel vm4, v2, v1;
	[tilespmem:v9+s21+$0x0] =	vst.idx.add.f32.msk $0xffff, v27;
	vm6 =	vgt.f32 v38, $0.0e+00  }
0x172: {  	v10 =	vor.u32 v11, v41;
	v11 =	vsel vm6, $0x40, v3;
	[tilespmem:v9+s22+$0x0] =	vst.idx.add.f32.msk $0xffff, v4;
	v6 =	vadd.f32 v45, v6  }
0x173: {  	v8 =	vadd.f32 v40, v8;
	v9 =	vmul.f32 v60, v60;
	v10 =	vor.u32 v11, v10;
	v11 =	vld.idx.msk [tilespmem:v5+s17+$0xAA80 ss:$0x1], $0xffff  }
0x174: {  	vm13 =	vgt.f32 v53, $0.0e+00;
	v13 =	vmul.f32 v38, v38;
	v6 =	vadd.f32 v50, v6  }
0x175: {  	v59 =	vsel vm13, v2, v1;
	v60 =	vsel vm14, $0x80, v3;
	v8 =	vadd.f32 v9, v8;
	v9 =	vld.idx.msk [tilespmem:v5+s17+$0x8B00 ss:$0x1], $0xffff  }
0x176: {  	v61 =	vsel vm15, $0x40, v3;
	v6 =	vadd.f32 v13, v6;
	v13 =	vor.u32 v59, v60  }
0x177: {  	vm12 =	vgt.f32 v49, $0.0e+00;
	v44 =	vmul.f32 v52, v52;
	[tilespmem:v12+s22+$0x0] =	vst.idx.add.f32.msk $0xffff, v4;
	v62 =	vor.u32 v61, v13  }
0x178: {  	v51 =	vsel vm8, $0x80, v3;
	v48 =	vsel vm7, v2, v1;
	[tilespmem:v10+s19+$0x0] =	vst.idx.add.f32.msk $0xffff, v36;
	vm9 =	vgt.f32 v11, $0.0e+00  }
0x179: {  	v12 =	vor.u32 v48, v51;
	v7 =	vadd.f32 v16, v7;
	v52 =	vsel vm9, $0x40, v3;
	[tilespmem:v10+s20+$0x0] =	vst.idx.add.f32.msk $0xffff, v37  }
0x17a: {  	v19 =	vmul.f32 v36, v36;
	vm11 =	vgt.f32 v9, $0.0e+00;
	v12 =	vor.u32 v52, v12;
	[tilespmem:v10+s21+$0x0] =	vst.idx.add.f32.msk $0xffff, v38  }
0x17b: {  	v46 =	vmul.f32 v63, v63;
	v7 =	vadd.f32 v44, v7;
	v57 =	vsel vm11, $0x80, v3;
	[tilespmem:v10+s22+$0x0] =	vst.idx.add.f32.msk $0xffff, v4  }
0x17c: {  	v58 =	vsel vm12, $0x40, v3;
	v8 =	vadd.f32 v19, v8;
	v19 =	vor.u32 v55, v57;
	[tilespmem:v62+s19+$0x0] =	vst.idx.add.f32.msk $0xffff, v53  }
0x17d: {  	v10 =	vor.u32 v58, v19;
	[tilespmem:v62+s20+$0x0] =	vst.idx.add.f32.msk $0xffff, v54  }
0x17e: {  	v22 =	vmul.f32 v37, v37;
	v7 =	vadd.f32 v46, v7;
	[tilespmem:v62+s21+$0x0] =	vst.idx.add.f32.msk $0xffff, v56  }
0x17f: {  	v15 =	vmul.f32 v42, v42;
	[tilespmem:v12+s19+$0x0] =	vst.idx.add.f32.msk $0xffff, v42  }
0x180: {  	v14 =	vmul.f32 v43, v43;
	v7 =	vadd.f32 v22, v7;
	[tilespmem:v12+s20+$0x0] =	vst.idx.add.f32.msk $0xffff, v43  }
0x181: {  	v63 =	vmul.f32 v47, v47;
	v8 =	vadd.f32 v15, v8;
	[tilespmem:v12+s21+$0x0] =	vst.idx.add.f32.msk $0xffff, v11  }
0x182: {  	v7 =	vadd.f32 v14, v7;
	v11 =	vmul.f32 v11, v11;
	[tilespmem:v10+s19+$0x0] =	vst.idx.add.f32.msk $0xffff, v47  }
0x183: {  	p1 =	por p0, p0;
	v8 =	vadd.f32 v63, v8;
	[tilespmem:v10+s20+$0x0] =	vst.idx.add.f32.msk $0xffff, v9;
	v9 =	vmul.f32 v9, v9  }
.Ltmp2:
0x184: {  	v6 =	vadd.f32 v11, v6;
	[tilespmem:v10+s21+$0x0] =	vst.idx.add.f32.msk $0xffff, v49;
	v11 =	vmul.f32 v49, v49;
	(pc) =	sbr.rel @p1 .LBB2_8-.Ltmp2, $4  }
0x185: {  	[tilespmem:v10+s22+$0x0] =	vst.idx.add.f32.msk $0xffff, v4;
	v7 =	vadd.f32 v9, v7;
	v9 =	vmul.f32 v53, v53  }
0x186: {  	v10 =	vmul.f32 v54, v54;
	v6 =	vadd.f32 v11, v6;
	v11 =	vmul.f32 v56, v56  }
0x187: {  	[tilespmem:v62+s22+$0x0] =	vst.idx.add.f32.msk $0xffff, v4;
	v8 =	vadd.f32 v9, v8  }
0x188: {  	p0 =	por $0x0, $0x0;
	s17 =	simm.s32 $0x4000;
	[tilespmem:v12+s22+$0x0] =	vst.idx.add.f32.msk $0xffff, v4;
	v7 =	vadd.f32 v10, v7;
	v6 =	vadd.f32 v11, v6  }
0x189: {  	v5 =	vld [tilespmem:$0x10030];
	_ =	sdelay $0x3  }
0x18a: {  	v9 =	vld [tilespmem:$0x10000]  }
0x18b: {  	v10 =	vld [tilespmem:$0x10010];
	v5 =	vmax.f32 v5, $1.000000000e+00  }
0x18c: {  	(erf) = vrcp.f32 v5;
	v5 =	vld [tilespmem:$0x10070]  }
0x18d: {  	v11 =	vld [tilespmem:$0x10020]  }
0x18e: {  	v13 =	vld [tilespmem:$0x10040]  }
0x18f: {  	[tilespmem:$0x10000] =	vst v0;
	v15 =	vld [tilespmem:$0x10050]  }
0x190: {  	[tilespmem:$0x10010] =	vst v0;
	v17 =	vld [tilespmem:$0x10060]  }
0x191: {  	[tilespmem:$0x10020] =	vst v0;
	v52 =	vld [tilespmem:$0x10080];
	v5 =	vmax.f32 v5, $1.000000000e+00  }
0x192: {  	[tilespmem:$0x10030] =	vst v0;
	(erf) = vrcp.f32 v5;
	v5 =	vld [tilespmem:$0x100B0]  }
0x193: {  	v53 =	vld [tilespmem:$0x10090];
	[tilespmem:$0x10040] =	vst v0  }
0x194: {  	v54 =	vld [tilespmem:$0x100F0];
	[tilespmem:$0x10050] =	vst v0  }
0x195: {  	v19 =	vld [tilespmem:$0x100C0];
	[tilespmem:$0x10060] =	vst v0  }
0x196: {  	v21 =	vld [tilespmem:$0x100D0];
	[tilespmem:$0x10080] =	vst v0  }
0x197: {  	v23 =	vld [tilespmem:$0x100E0];
	[tilespmem:$0x10090] =	vst v0;
	v5 =	vmax.f32 v5, $1.000000000e+00  }
0x198: {  	v55 =	vld [tilespmem:$0x10130];
	[tilespmem:$0x100C0] =	vst v0;
	(erf) = vrcp.f32 v5  }
0x199: {  	v56 =	vld [tilespmem:$0x10100];
	[tilespmem:$0x100D0] =	vst v0;
	v12 =	vpop (erf)  }
0x19a: {  	v57 =	vld [tilespmem:$0x10110];
	[tilespmem:$0x100E0] =	vst v0;
	v14 =	vmul.f32 v12, v9  }
0x19b: {  	v58 =	vld [tilespmem:$0x10170];
	[tilespmem:$0x100F0] =	vst v0;
	v16 =	vmul.f32 v12, v10;
	v9 =	vadd.f32 $0.0e+00, v9;
	v10 =	vadd.f32 $0.0e+00, v10  }
0x19c: {  	v60 =	vld [tilespmem:$0x10120];
	[tilespmem:$0x10100] =	vst v0  }
0x19d: {  	[tilespmem:$0x10110] =	vst v0;
	v5 =	vld [tilespmem:$0x100A0];
	v9 =	vadd.f32 v13, v9;
	v10 =	vadd.f32 v15, v10  }
0x19e: {  	s15 =	sadd.s32 s15, s16;
	s2 =	sor.u32 s3, s2;
	v62 =	vld [tilespmem:$0x10140];
	[tilespmem:$0x10120] =	vst v0;
	v12 =	vmul.f32 v11, v12;
	v11 =	vadd.f32 $0.0e+00, v11  }
0x19f: {  	v63 =	vld [tilespmem:$0x10150];
	s2 =	sor.u32 $0x380, s2;
	[tilespmem:s15+$0xE300] =	vst v14;
	v9 =	vadd.f32 v52, v9;
	v10 =	vadd.f32 v53, v10  }
0x1a0: {  	v28 =	vld [tilespmem:$0x10180];
	v11 =	vadd.f32 v17, v11;
	[tilespmem:s2+$0xE000] =	vst v16;
	v18 =	vpop (erf)  }
0x1a1: {  	v30 =	vld [tilespmem:$0x10160];
	[tilespmem:s15+$0xE800] =	vst v12;
	v12 =	vmax.f32 v54, $1.000000000e+00;
	v9 =	vadd.f32 v19, v9;
	v10 =	vadd.f32 v21, v10;
	v59 =	vpop (erf)  }
0x1a2: {  	v32 =	vld [tilespmem:$0x10190];
	[tilespmem:$0x10130] =	vst v0;
	(erf) = vrcp.f32 v12;
	v27 =	vmul.f32 v5, v59;
	v5 =	vadd.f32 v5, v11  }
0x1a3: {  	v31 =	vld [tilespmem:$0x101C0];
	[tilespmem:$0x10140] =	vst v0;
	v9 =	vadd.f32 v56, v9;
	v10 =	vadd.f32 v57, v10  }
0x1a4: {  	v25 =	vld [tilespmem:$0x101D0];
	[tilespmem:$0x10150] =	vst v0;
	v61 =	vmax.f32 v55, $1.000000000e+00;
	v5 =	vadd.f32 v23, v5  }
0x1a5: {  	v34 =	vld [tilespmem:$0x101A0];
	[tilespmem:$0x10160] =	vst v0;
	(erf) = vrcp.f32 v61;
	v9 =	vadd.f32 v62, v9;
	v10 =	vadd.f32 v63, v10  }
0x1a6: {  	v8 =	vmul.f32 $3.225806360e-02, v8;
	[tilespmem:$0x10170] =	vst v0;
	v7 =	vmul.f32 $3.225806360e-02, v7;
	v5 =	vadd.f32 v60, v5  }
0x1a7: {  	v26 =	vld [tilespmem:$0x101E0];
	[tilespmem:$0x10180] =	vst v0;
	v6 =	vmul.f32 $3.225806360e-02, v6;
	v9 =	vadd.f32 v28, v9;
	v10 =	vadd.f32 v32, v10  }
0x1a8: {  	[tilespmem:$0x10190] =	vst v0;
	v29 =	vmax.f32 v58, $1.000000000e+00;
	v20 =	vmul.f32 v18, v13;
	v5 =	vadd.f32 v30, v5  }
0x1a9: {  	[tilespmem:$0x101A0] =	vst v0;
	v22 =	vmul.f32 v18, v15;
	v9 =	vadd.f32 v31, v9;
	v10 =	vadd.f32 v25, v10  }
0x1aa: {  	v35 =	vld [tilespmem:$0x101B0];
	[tilespmem:$0x101B0] =	vst v0;
	v18 =	vmul.f32 v17, v18;
	(erf) = vrcp.f32 v29;
	v5 =	vadd.f32 v34, v5  }
0x1ab: {  	[tilespmem:$0x101C0] =	vst v0;
	v33 =	vpop (erf);
	v9 =	vmul.f32 v9, v9;
	v10 =	vmul.f32 v10, v10  }
0x1ac: {  	[tilespmem:$0x101D0] =	vst v0;
	v14 =	vmul.f32 v59, v52;
	v19 =	vmul.f32 v33, v19;
	v5 =	vadd.f32 v26, v5  }
0x1ad: {  	[tilespmem:$0x101E0] =	vst v0;
	v9 =	vmul.f32 $1.008064490e-03, v9;
	v39 =	vmul.f32 $1.008064490e-03, v10  }
0x1ae: {  	v43 =	vld [tilespmem:$0x101F0];
	[tilespmem:$0x101F0] =	vst v0;
	v21 =	vmul.f32 v33, v21;
	v36 =	vpop (erf);
	v5 =	vmul.f32 v5, v5  }
0x1af: {  	[tilespmem:$0x10070] =	vst v0;
	v12 =	vmul.f32 v36, v57;
	v8 =	vsub.f32 v8, v9;
	v7 =	vsub.f32 v7, v39  }
0x1b0: {  	[tilespmem:s15+$0xE980] =	vst v18;
	v18 =	vmul.f32 v60, v36;
	v5 =	vmul.f32 $1.008064490e-03, v5  }
0x1b1: {  	[tilespmem:s15+$0xEB80] =	vst v19;
	v19 =	vmax.f32 v35, $1.000000000e+00;
	v8 =	vmax.f32 v8, $0.0e+00;
	v7 =	vmax.f32 v7, $0.0e+00  }
0x1b2: {  	[tilespmem:$0x100B0] =	vst v0;
	v40 =	vmul.f32 $5.000000000e-01, v8;
	v41 =	vshrl.u32 v8, $0x1;
	v5 =	vsub.f32 v6, v5  }
0x1b3: {  	(erf) = vrcp.f32 v19;
	[tilespmem:s15+$0xF180] =	vst v12;
	v45 =	vmul.f32 $5.000000000e-01, v7;
	v12 =	vsub.s32 $0x5F3759DF, v41  }
0x1b4: {  	[tilespmem:$0x100A0] =	vst v0;
	v46 =	vshrl.u32 v7, $0x1;
	v44 =	vmul.f32 v12, v40;
	v5 =	vmax.f32 v5, $0.0e+00  }
0x1b5: {  	[tilespmem:s15+$0xF200] =	vst v18;
	v18 =	vsub.s32 $0x5F3759DF, v46;
	v47 =	vmul.f32 $5.000000000e-01, v5;
	v48 =	vshrl.u32 v5, $0x1  }
0x1b6: {  	[tilespmem:s15+$0xF000] =	vst v21;
	v38 =	vpop (erf);
	v49 =	vmul.f32 v18, v45;
	v13 =	vmul.f32 v12, v44;
	v21 =	vsub.s32 $0x5F3759DF, v48  }
0x1b7: {  	v50 =	vmax.f32 v43, $1.000000000e+00;
	[tilespmem:s15+$0xE880] =	vst v20;
	v6 =	vmul.f32 v30, v38;
	v51 =	vmul.f32 v21, v47  }
0x1b8: {  	[tilespmem:s15+$0xE900] =	vst v22;
	(erf) = vrcp.f32 v50;
	v52 =	vmul.f32 v18, v49  }
0x1b9: {  	v24 =	vmul.f32 v59, v53;
	[tilespmem:s15+$0xF380] =	vst v6;
	v6 =	vsub.f32 $1.500000000e+00, v13;
	v53 =	vmul.f32 v21, v51  }
0x1ba: {  	[tilespmem:s15+$0xEA00] =	vst v14;
	v16 =	vmul.f32 v23, v33;
	v37 =	vmul.f32 v36, v56;
	v9 =	vsub.f32 $1.500000000e+00, v52  }
0x1bb: {  	[tilespmem:s15+$0xEA80] =	vst v24;
	v20 =	vmul.f32 v38, v62;
	v6 =	vmul.f32 v12, v6;
	v13 =	vsub.f32 $1.500000000e+00, v53  }
0x1bc: {  	[tilespmem:s15+$0xEB00] =	vst v27;
	v42 =	vmul.f32 v38, v63;
	v9 =	vmul.f32 v18, v9  }
0x1bd: {  	[tilespmem:s15+$0xF080] =	vst v16;
	v54 =	vpop (erf);
	v10 =	vmul.f32 v6, v40;
	v57 =	vmul.f32 v21, v13  }
0x1be: {  	[tilespmem:s15+$0xF100] =	vst v37;
	v14 =	vmul.f32 v54, v32;
	v58 =	vmul.f32 v9, v45  }
0x1bf: {  	[tilespmem:s15+$0xF280] =	vst v20;
	v10 =	vmul.f32 v10, v6;
	v59 =	vmul.f32 v57, v47  }
0x1c0: {  	[tilespmem:s15+$0xF300] =	vst v42;
	v55 =	vmul.f32 v54, v28;
	v13 =	vmul.f32 v58, v9  }
0x1c1: {  	v56 =	vmul.f32 v34, v54;
	v60 =	vpop (erf);
	[tilespmem:s15+$0xF880] =	vst v14;
	v10 =	vsub.f32 $1.500000000e+00, v10;
	v14 =	vmul.f32 v59, v57  }
0x1c2: {  	v11 =	vmul.f32 v60, v31;
	[tilespmem:s15+$0xF800] =	vst v55;
	v13 =	vsub.f32 $1.500000000e+00, v13  }
0x1c3: {  	s1 =	sadd.s32 $0x1, s1;
	v61 =	vmul.f32 v60, v25;
	[tilespmem:s15+$0xF900] =	vst v56;
	v6 =	vmul.f32 v10, v6;
	v14 =	vsub.f32 $1.500000000e+00, v14  }
0x1c4: {  	p0 =	sne.s32 s1, $0x10;
	v62 =	vmul.f32 v26, v60;
	[tilespmem:s15+$0xF980] =	vst v11;
	v9 =	vmul.f32 v13, v9  }
.Ltmp3:
0x1c5: {  	[tilespmem:s15+$0xFA00] =	vst v61;
	v6 =	vmul.f32 v6, v8;
	v63 =	vmul.f32 v14, v57;
	(pc) =	sbr.rel @p0 .LBB2_7-.Ltmp3, $4  }
0x1c6: {  	[tilespmem:s15+$0xFA80] =	vst v62;
	v7 =	vmul.f32 v9, v7  }
0x1c7: {  	[tilespmem:s15+$0xE000] =	vst v6;
	v5 =	vmul.f32 v63, v5  }
0x1c8: {  	[tilespmem:s15+$0xE080] =	vst v7  }
0x1c9: {  	[tilespmem:s15+$0xE100] =	vst v5  }
0x1ca: {  	p0 =	sne.s32 s4, $0x8  }
.Ltmp4:
0x1cb: {  	_ = 	snop;
	(pc) =	sbr.rel @p0 .LBB2_2-.Ltmp4, $4  }
0x1cc: {  	_ =	swait.ge [sflag:s23], $0x300  }
0x1cd: {  	[sflag:s23] =	ssyncset.done $0x0  }
0x1ce: {  	s1 =	sadd.s32 s9, s8;
	[sflag:s23] =	ssyncadd.s32 $0xFFFFFD00  }
0x1cf: {  	[hbm4b:s1+s11] =	stream.strided.scatter [tilespmem:s30], [sflag:$0x5], $0x2000, s24, s11, $0x38;
	[tilespmem:$0x10200] =	vst v63  }
0x1d0: {  	s1 =	simm.s32 $0x4  }
0x1d1: {  	_ =	swait.ge [sflag:s1], $0x2000  }
0x1d2: {  	[sflag:s1] =	ssyncset.done $0x0  }
0x1d3: {  	[sflag:s1] =	ssyncadd.s32 $0xFFFFE000  }
0x1d4: {  	_ =	swait.ge [sflag:s0], $0x2000  }
0x1d5: {  	s2 =	rddreg [dreg:$0x5]  }
0x1d6: {  	s31 =	rddreg [dreg:$0x4];
	s2 =	sadd.s32 $0x1, s2  }
0x1d7: {  	p0 =	sne.s32 s2, s31  }
.Ltmp5:
0x1d8: {  	_ = 	snop;
	(pc) =	sbr.rel @p0 .LBB2_1-.Ltmp5, $3  }
0x1d9: {  	_ =	sdelay $0x1  }
0x1da: {  	[sflag:s0] =	ssyncset.done $0x0  }
0x1db: {  	[sflag:s0] =	ssyncadd.s32 $0xFFFFE000  }
0x1dc: {  	_ =	sfence.sel $0x180000  }
0x1dd: {  	[bflag:$0x0] =	sbarrier.arrive $0xFFFF  }
0x1de: {  	_ =	strace $0x90000047  }
0x1df: {  	s0 =	stileid.u32;
	[bflag:$0x2] =	sbarrier.arrive $0xFFFF  }
0x1e0: {  	p0 =	sne.s32 s0, $0x0;
	s0 =	rddreg [dreg:$0x3]  }
0x1e1: {  	s0 =	sadd.s32 @!p0 $0x100000, s0  }
0x1e2: {  	[sflag:s0] =	ssyncadd.tile.s32 @!p0 $0x1;
	_ =	shalt  }
.Lfunc_end2:
_tile_overlayer_lowered:
.L_overlay_start_2:
0x1e3: {  	(tag) =	ssettag $0x2  }
0x1e4: {  	s0 =	rddreg [dreg:$0x0];
	s2 =	stileid.u32  }
0x1e5: {  	s1 =	rddreg [dreg:$0x1];
	p0 =	sne.s32 s2, $0x0  }
0x1e6: {  	s3 =	rddreg [dreg:$0x2];
	[bflag:$0x3] =	sbarrier.arrive $0xFFFF;
	s2 =	simm.s32 @!p0 $0x1C06  }
0x1e7: {  	[timem:s3], [sflag:s2] =	dma.local @!p0 [hbm:s0], s1  }
0x1e8: {  	s0 =	simm.s32 @!p0 $0x6  }
0x1e9: {  	_ =	swait.ge @!p0 [sflag:s0], s1  }
0x1ea: {  	s1 =	ssub.s32 @!p0 $0x0, s1;
	[sflag:s0] =	ssyncset.done @!p0 $0x0  }
0x1eb: {  	[sflag:s0] =	ssyncadd.s32 @!p0 s1  }
0x1ec: {  	[bflag:$0x3] =	sbarrier.arrive $0xFFFF  }
0x1ed: {  	_ =	shalt  }

</sc_bundles>
